<compile_context>
chip_gen: v7x
topology: tpu7x:2x2x1
jax: 0.10.2.dev20260603
libtpu: 0.0.44.dev20260713+nightly
codegen_flags: <defaults>
</compile_context>

<pallas_src>
import jax
import jax.numpy as jnp
from jax import lax
from jax.experimental import pallas as pl
from jax.experimental.pallas import tpu as pltpu
from jax.experimental.pallas import tpu_sc as plsc

N_ROWS = 16384
N_COLS = 128
LANES = 16
VREGS_PER_ROW = N_COLS // LANES

NUM_CORES = 2
NUM_SUBCORES = 16
NUM_WORKERS = NUM_CORES * NUM_SUBCORES
ROWS_PER_WORKER = N_ROWS // NUM_WORKERS

NBUF = 2
CHUNK_ROWS = 256
CHUNK_ELEMS = CHUNK_ROWS * N_COLS
NUM_CHUNKS = ROWS_PER_WORKER // CHUNK_ROWS


def _body(x_hbm, z_hbm, ld_hbm, b0, b1, ld_v,
          ls0, ls1, ss0, ss1, hs0, hs1, ldsem):
    wid = lax.axis_index("s") * NUM_CORES + lax.axis_index("c")
    elem_base = wid * ROWS_PER_WORKER * N_COLS

    bufs = (b0, b1)
    lsems = (ls0, ls1)
    ssems = (ss0, ss1)

    def start_load(c):
        off = elem_base + c * CHUNK_ELEMS
        return pltpu.async_copy(x_hbm.at[pl.ds(off, CHUNK_ELEMS)],
                                bufs[c % NBUF], lsems[c % NBUF])

    def start_store(c):
        off = elem_base + c * CHUNK_ELEMS
        return pltpu.async_copy(bufs[c % NBUF],
                                z_hbm.at[pl.ds(off, CHUNK_ELEMS)],
                                ssems[c % NBUF])

    loads = {0: start_load(0)}
    if NUM_CHUNKS > 1:
        loads[1] = start_load(1)
    stores = {}

    zero = jnp.zeros((LANES,), jnp.float32)

    def fill_zero(i, _):
        ld_v[pl.ds(i * LANES, LANES)] = zero
        return 0

    lax.fori_loop(0, ROWS_PER_WORKER // LANES, fill_zero, 0, unroll=4)
    ld_store = pltpu.async_copy(
        ld_v, ld_hbm.at[pl.ds(wid * ROWS_PER_WORKER, ROWS_PER_WORKER)], ldsem)

    half = CHUNK_ELEMS // 2

    def start_half_store(c, h, sem):
        off = elem_base + c * CHUNK_ELEMS + h * half
        return pltpu.async_copy(bufs[c % NBUF].at[pl.ds(h * half, half)],
                                z_hbm.at[pl.ds(off, half)], sem)

    half_stores = []
    for c in range(NUM_CHUNKS):
        if c + 2 < NUM_CHUNKS:
            if c + 2 >= NBUF:
                stores[c + 2 - NBUF].wait()
            loads[c + 2] = start_load(c + 2)
        loads[c].wait()
        buf = bufs[c % NBUF]
        last = c == NUM_CHUNKS - 1

        def rev_rows(lo, hi, buf=buf):
            def rev_row(r, buf=buf):
                base = r * N_COLS
                vals = [buf[pl.ds(base + j * LANES, LANES)]
                        for j in range(VREGS_PER_ROW)]
                for j in range(VREGS_PER_ROW):
                    buf[pl.ds(base + (VREGS_PER_ROW - 1 - j) * LANES,
                              LANES)] = lax.rev(vals[j], (0,))
            plsc.parallel_loop(lo, hi, unroll=2)(rev_row)

        if last:
            rev_rows(0, CHUNK_ROWS // 2)
            half_stores.append(start_half_store(c, 0, hs0))
            rev_rows(CHUNK_ROWS // 2, CHUNK_ROWS)
            half_stores.append(start_half_store(c, 1, hs1))
        else:
            rev_rows(0, CHUNK_ROWS)
            stores[c] = start_store(c)

    for c in range(max(0, NUM_CHUNKS - NBUF), NUM_CHUNKS - 1):
        stores[c].wait()
    for hs in half_stores:
        hs.wait()
    ld_store.wait()


@jax.jit
def _permute_sc(x_flat):
    mesh = plsc.VectorSubcoreMesh(core_axis_name="c", subcore_axis_name="s")
    fn = pl.kernel(
        _body,
        out_type=[
            jax.ShapeDtypeStruct((N_ROWS * N_COLS,), jnp.float32),
            jax.ShapeDtypeStruct((N_ROWS,), jnp.float32),
        ],
        mesh=mesh,
        scratch_types=[
            pltpu.VMEM((CHUNK_ELEMS,), jnp.float32),
            pltpu.VMEM((CHUNK_ELEMS,), jnp.float32),
            pltpu.VMEM((ROWS_PER_WORKER,), jnp.float32),
            pltpu.SemaphoreType.DMA,
            pltpu.SemaphoreType.DMA,
            pltpu.SemaphoreType.DMA,
            pltpu.SemaphoreType.DMA,
            pltpu.SemaphoreType.DMA,
            pltpu.SemaphoreType.DMA,
            pltpu.SemaphoreType.DMA,
        ],
    )
    return fn(x_flat)


def kernel(rng, x):
    z_flat, logdet = _permute_sc(x.reshape(-1))
    return (z_flat.reshape(N_ROWS, N_COLS), logdet)

# --- scband reference (transcript-rebuilt; emitter-appended) ---
"""Pipeline reference for scband-permute-7138235646295 (READ-ONLY COPY).

The authoritative reference and input builder live on the scoring server;
editing this copy changes nothing except your own understanding.
"""

import jax, jax.numpy as jnp
import numpy as np

# Constructor constants (init_kwargs)
PERM = jnp.array(list(range(127, -1, -1)), dtype=jnp.int32)  # permutation of size 128
DIM = 1


def setup_inputs(seed: int = 0) -> dict:
    key = jax.random.key(seed)
    x = jax.random.normal(key, (16384, 128), dtype=jnp.float32)
    # rng is accepted by the module's forward but never used
    rng = jnp.zeros((2,), dtype=jnp.int32)
    return {"rng": rng, "x": x}


def reference(rng, x):
    # Permute.forward: gather along axis=dim with the fixed permutation,
    # plus a zero log-det term (volume-preserving bijection).
    z = jnp.take(x, PERM, axis=DIM)
    logdet = jnp.zeros(x.shape[0], dtype=x.dtype)
    return (z, logdet)

if __name__ == "__main__":
    import jax
    _d = setup_inputs()
    print(jax.jit(kernel)(*tuple(_d.values())))

</pallas_src>

<mosaic_0001>
#map = affine_map<(d0, d1) -> (0)>
module attributes {stable_mosaic.version = 14 : i64} {
  func.func @_body(%arg0: i32, %arg1: i32, %arg2: memref<2097152xf32, #tpu.memory_space<hbm>>, %arg3: memref<2097152xf32, #tpu.memory_space<hbm>>, %arg4: memref<16384xf32, #tpu.memory_space<hbm>>, %arg5: memref<32768xf32, #tpu.memory_space<vmem>>, %arg6: memref<32768xf32, #tpu.memory_space<vmem>>, %arg7: memref<512xf32, #tpu.memory_space<vmem>>, %arg8: memref<!tpu.dma_semaphore, #tpu.memory_space<semaphore_mem>>, %arg9: memref<!tpu.dma_semaphore, #tpu.memory_space<semaphore_mem>>, %arg10: memref<!tpu.dma_semaphore, #tpu.memory_space<semaphore_mem>>, %arg11: memref<!tpu.dma_semaphore, #tpu.memory_space<semaphore_mem>>, %arg12: memref<!tpu.dma_semaphore, #tpu.memory_space<semaphore_mem>>, %arg13: memref<!tpu.dma_semaphore, #tpu.memory_space<semaphore_mem>>, %arg14: memref<!tpu.dma_semaphore, #tpu.memory_space<semaphore_mem>>) attributes {dimension_semantics = [#tpu.dimension_semantics<core_parallel>, #tpu.dimension_semantics<subcore_parallel>], iteration_bounds = array<i64: 2, 16>, scalar_prefetch = 0 : i64, scratch_operands = 10 : i64, tpu.core_type = #tpu.core_type<sc_vector_subcore>, window_params = [{transform_indices = #map}, {transform_indices = #map}, {transform_indices = #map}]} {
    %mul3A = arith.constant 2 : i32
    %mul3A_0 = arith.muli %arg1, %mul3A : i32
    %add3A = arith.addi %mul3A_0, %arg0 : i32
    %mul3A_1 = arith.constant 512 : i32
    %mul3A_2 = arith.muli %add3A, %mul3A_1 : i32
    %mul3A_3 = arith.constant 128 : i32
    %mul3A_4 = arith.muli %mul3A_2, %mul3A_3 : i32
    %add3A_5 = arith.constant 0 : i32
    %add3A_6 = arith.addi %mul3A_4, %add3A_5 : i32
    %dma_start3A = tpu.memref_slice %arg2[%add3A_6] : memref<2097152xf32, #tpu.memory_space<hbm>> -> memref<32768xf32, #tpu.memory_space<hbm>>
    %dma_start3A_7 = tpu.memref_slice %arg2[%add3A_6] : memref<2097152xf32, #tpu.memory_space<hbm>> -> memref<32768xf32, #tpu.memory_space<hbm>>
    tpu.enqueue_dma source(%dma_start3A_7 : memref<32768xf32, #tpu.memory_space<hbm>>) target(%arg5 : memref<32768xf32, #tpu.memory_space<vmem>>) target_semaphore(%arg8 : memref<!tpu.dma_semaphore, #tpu.memory_space<semaphore_mem>>)
    %add3A_8 = arith.constant 32768 : i32
    %add3A_9 = arith.addi %mul3A_4, %add3A_8 : i32
    %dma_start3A_10 = tpu.memref_slice %arg2[%add3A_9] : memref<2097152xf32, #tpu.memory_space<hbm>> -> memref<32768xf32, #tpu.memory_space<hbm>>
    %dma_start3A_11 = tpu.memref_slice %arg2[%add3A_9] : memref<2097152xf32, #tpu.memory_space<hbm>> -> memref<32768xf32, #tpu.memory_space<hbm>>
    tpu.enqueue_dma source(%dma_start3A_11 : memref<32768xf32, #tpu.memory_space<hbm>>) target(%arg6 : memref<32768xf32, #tpu.memory_space<vmem>>) target_semaphore(%arg9 : memref<!tpu.dma_semaphore, #tpu.memory_space<semaphore_mem>>)
    %broadcast_in_dim3A = arith.constant 0.000000e+00 : f32
    %broadcast_in_dim3A_12 = vector.broadcast %broadcast_in_dim3A : f32 to vector<16xf32>
    %scan3A = arith.constant 0 : i32
    %scan3A_13 = arith.constant 0 : i32
    %scan3A_14 = arith.constant 32 : i32
    %scan3A_15 = arith.addi %scan3A_13, %scan3A_14 : i32
    %scan3A_16 = arith.constant 4 : i32
    %scan3A_17 = scf.for %scan3A_74 = %scan3A_13 to %scan3A_15 step %scan3A_16 iter_args(%scan3A_75 = %scan3A) -> (i32)  : i32 {
      %mul3A_76 = arith.constant 16 : i32
      %mul3A_77 = arith.muli %scan3A_74, %mul3A_76 : i32
      %swap3A = arith.index_cast %mul3A_77 : i32 to index
      %swap3A_78 = tpu.vector_load %arg7[%swap3A] {strides = array<i32>} : memref<512xf32, #tpu.memory_space<vmem>>, vector<16xf32>,
      %swap3A_79 = vector.shape_cast %swap3A_78 : vector<16xf32> to vector<16xf32>
      %swap3A_80 = vector.shape_cast %broadcast_in_dim3A_12 : vector<16xf32> to vector<16xf32>
      tpu.vector_store %arg7[%swap3A], %swap3A_80 {strides = array<i32>} : memref<512xf32, #tpu.memory_space<vmem>>, vector<16xf32>,
      %scan3A_81 = arith.constant 0 : i32
      %scan3A_82 = arith.constant 1 : i32
      %scan3A_83 = arith.addi %scan3A_74, %scan3A_82 : i32
      %mul3A_84 = arith.constant 16 : i32
      %mul3A_85 = arith.muli %scan3A_83, %mul3A_84 : i32
      %swap3A_86 = arith.index_cast %mul3A_85 : i32 to index
      %swap3A_87 = tpu.vector_load %arg7[%swap3A_86] {strides = array<i32>} : memref<512xf32, #tpu.memory_space<vmem>>, vector<16xf32>,
      %swap3A_88 = vector.shape_cast %swap3A_87 : vector<16xf32> to vector<16xf32>
      %swap3A_89 = vector.shape_cast %broadcast_in_dim3A_12 : vector<16xf32> to vector<16xf32>
      tpu.vector_store %arg7[%swap3A_86], %swap3A_89 {strides = array<i32>} : memref<512xf32, #tpu.memory_space<vmem>>, vector<16xf32>,
      %scan3A_90 = arith.constant 0 : i32
      %scan3A_91 = arith.constant 2 : i32
      %scan3A_92 = arith.addi %scan3A_74, %scan3A_91 : i32
      %mul3A_93 = arith.constant 16 : i32
      %mul3A_94 = arith.muli %scan3A_92, %mul3A_93 : i32
      %swap3A_95 = arith.index_cast %mul3A_94 : i32 to index
      %swap3A_96 = tpu.vector_load %arg7[%swap3A_95] {strides = array<i32>} : memref<512xf32, #tpu.memory_space<vmem>>, vector<16xf32>,
      %swap3A_97 = vector.shape_cast %swap3A_96 : vector<16xf32> to vector<16xf32>
      %swap3A_98 = vector.shape_cast %broadcast_in_dim3A_12 : vector<16xf32> to vector<16xf32>
      tpu.vector_store %arg7[%swap3A_95], %swap3A_98 {strides = array<i32>} : memref<512xf32, #tpu.memory_space<vmem>>, vector<16xf32>,
      %scan3A_99 = arith.constant 0 : i32
      %scan3A_100 = arith.constant 3 : i32
      %scan3A_101 = arith.addi %scan3A_74, %scan3A_100 : i32
      %mul3A_102 = arith.constant 16 : i32
      %mul3A_103 = arith.muli %scan3A_101, %mul3A_102 : i32
      %swap3A_104 = arith.index_cast %mul3A_103 : i32 to index
      %swap3A_105 = tpu.vector_load %arg7[%swap3A_104] {strides = array<i32>} : memref<512xf32, #tpu.memory_space<vmem>>, vector<16xf32>,
      %swap3A_106 = vector.shape_cast %swap3A_105 : vector<16xf32> to vector<16xf32>
      %swap3A_107 = vector.shape_cast %broadcast_in_dim3A_12 : vector<16xf32> to vector<16xf32>
      tpu.vector_store %arg7[%swap3A_104], %swap3A_107 {strides = array<i32>} : memref<512xf32, #tpu.memory_space<vmem>>, vector<16xf32>,
      %scan3A_108 = arith.constant 0 : i32
      scf.yield %scan3A_108 : i32
    }
    %scan3A_18 = arith.constant 32 : i32
    %mul3A_19 = arith.constant 512 : i32
    %mul3A_20 = arith.muli %add3A, %mul3A_19 : i32
    %dma_start3A_21 = tpu.memref_slice %arg4[%mul3A_20] : memref<16384xf32, #tpu.memory_space<hbm>> -> memref<512xf32, #tpu.memory_space<hbm>>
    %dma_start3A_22 = tpu.memref_slice %arg4[%mul3A_20] : memref<16384xf32, #tpu.memory_space<hbm>> -> memref<512xf32, #tpu.memory_space<hbm>>
    tpu.enqueue_dma source(%arg7 : memref<512xf32, #tpu.memory_space<vmem>>) target(%dma_start3A_22 : memref<512xf32, #tpu.memory_space<hbm>>) target_semaphore(%arg14 : memref<!tpu.dma_semaphore, #tpu.memory_space<semaphore_mem>>)
    %dma_wait3A = tpu.memref_slice %arg2[%add3A_6] : memref<2097152xf32, #tpu.memory_space<hbm>> -> memref<32768xf32, #tpu.memory_space<hbm>>
    %dma_wait3A_23 = tpu.memref_slice %arg2[%add3A_6] : memref<2097152xf32, #tpu.memory_space<hbm>> -> memref<32768xf32, #tpu.memory_space<hbm>>
    tpu.wait_dma2 semaphore(%arg8 : memref<!tpu.dma_semaphore, #tpu.memory_space<semaphore_mem>>) src(%dma_wait3A_23 : memref<32768xf32, #tpu.memory_space<hbm>>) dst(%arg5 : memref<32768xf32, #tpu.memory_space<vmem>>)
    %parallel_loop3A = arith.constant 0 : i32
    %parallel_loop3A_24 = arith.constant 256 : i32
    %parallel_loop3A_25 = arith.constant 1 : i32
    scf.for %parallel_loop3A_74 = %parallel_loop3A to %parallel_loop3A_24 step %parallel_loop3A_25  : i32 {
      %parallel_loop3A_75 = arith.constant 128 : i32
      %parallel_loop3A_76 = arith.muli %parallel_loop3A_74, %parallel_loop3A_75 : i32
      %parallel_loop3A_77 = arith.constant 0 : i32
      %parallel_loop3A_78 = arith.addi %parallel_loop3A_76, %parallel_loop3A_77 : i32
      %parallel_loop3A_79 = arith.index_cast %parallel_loop3A_78 : i32 to index
      %parallel_loop3A_80 = tpu.vector_load %arg5[%parallel_loop3A_79] {strides = array<i32>} : memref<32768xf32, #tpu.memory_space<vmem>>, vector<16xf32>,
      %parallel_loop3A_81 = vector.shape_cast %parallel_loop3A_80 : vector<16xf32> to vector<16xf32>
      %parallel_loop3A_82 = arith.constant 16 : i32
      %parallel_loop3A_83 = arith.addi %parallel_loop3A_76, %parallel_loop3A_82 : i32
      %parallel_loop3A_84 = arith.index_cast %parallel_loop3A_83 : i32 to index
      %parallel_loop3A_85 = tpu.vector_load %arg5[%parallel_loop3A_84] {strides = array<i32>} : memref<32768xf32, #tpu.memory_space<vmem>>, vector<16xf32>,
      %parallel_loop3A_86 = vector.shape_cast %parallel_loop3A_85 : vector<16xf32> to vector<16xf32>
      %parallel_loop3A_87 = arith.constant 32 : i32
      %parallel_loop3A_88 = arith.addi %parallel_loop3A_76, %parallel_loop3A_87 : i32
      %parallel_loop3A_89 = arith.index_cast %parallel_loop3A_88 : i32 to index
      %parallel_loop3A_90 = tpu.vector_load %arg5[%parallel_loop3A_89] {strides = array<i32>} : memref<32768xf32, #tpu.memory_space<vmem>>, vector<16xf32>,
      %parallel_loop3A_91 = vector.shape_cast %parallel_loop3A_90 : vector<16xf32> to vector<16xf32>
      %parallel_loop3A_92 = arith.constant 48 : i32
      %parallel_loop3A_93 = arith.addi %parallel_loop3A_76, %parallel_loop3A_92 : i32
      %parallel_loop3A_94 = arith.index_cast %parallel_loop3A_93 : i32 to index
      %parallel_loop3A_95 = tpu.vector_load %arg5[%parallel_loop3A_94] {strides = array<i32>} : memref<32768xf32, #tpu.memory_space<vmem>>, vector<16xf32>,
      %parallel_loop3A_96 = vector.shape_cast %parallel_loop3A_95 : vector<16xf32> to vector<16xf32>
      %parallel_loop3A_97 = arith.constant 64 : i32
      %parallel_loop3A_98 = arith.addi %parallel_loop3A_76, %parallel_loop3A_97 : i32
      %parallel_loop3A_99 = arith.index_cast %parallel_loop3A_98 : i32 to index
      %parallel_loop3A_100 = tpu.vector_load %arg5[%parallel_loop3A_99] {strides = array<i32>} : memref<32768xf32, #tpu.memory_space<vmem>>, vector<16xf32>,
      %parallel_loop3A_101 = vector.shape_cast %parallel_loop3A_100 : vector<16xf32> to vector<16xf32>
      %parallel_loop3A_102 = arith.constant 80 : i32
      %parallel_loop3A_103 = arith.addi %parallel_loop3A_76, %parallel_loop3A_102 : i32
      %parallel_loop3A_104 = arith.index_cast %parallel_loop3A_103 : i32 to index
      %parallel_loop3A_105 = tpu.vector_load %arg5[%parallel_loop3A_104] {strides = array<i32>} : memref<32768xf32, #tpu.memory_space<vmem>>, vector<16xf32>,
      %parallel_loop3A_106 = vector.shape_cast %parallel_loop3A_105 : vector<16xf32> to vector<16xf32>
      %parallel_loop3A_107 = arith.constant 96 : i32
      %parallel_loop3A_108 = arith.addi %parallel_loop3A_76, %parallel_loop3A_107 : i32
      %parallel_loop3A_109 = arith.index_cast %parallel_loop3A_108 : i32 to index
      %parallel_loop3A_110 = tpu.vector_load %arg5[%parallel_loop3A_109] {strides = array<i32>} : memref<32768xf32, #tpu.memory_space<vmem>>, vector<16xf32>,
      %parallel_loop3A_111 = vector.shape_cast %parallel_loop3A_110 : vector<16xf32> to vector<16xf32>
      %parallel_loop3A_112 = arith.constant 112 : i32
      %parallel_loop3A_113 = arith.addi %parallel_loop3A_76, %parallel_loop3A_112 : i32
      %parallel_loop3A_114 = arith.index_cast %parallel_loop3A_113 : i32 to index
      %parallel_loop3A_115 = tpu.vector_load %arg5[%parallel_loop3A_114] {strides = array<i32>} : memref<32768xf32, #tpu.memory_space<vmem>>, vector<16xf32>,
      %parallel_loop3A_116 = vector.shape_cast %parallel_loop3A_115 : vector<16xf32> to vector<16xf32>
      %parallel_loop3A_117 = arith.constant 15 : i32
      %parallel_loop3A_118 = vector.broadcast %parallel_loop3A_117 : i32 to vector<16xi32>
      %parallel_loop3A_119 = tpu.iota {dimensions = array<i32: 0>} : vector<16xi32>
      %parallel_loop3A_120 = arith.subi %parallel_loop3A_118, %parallel_loop3A_119 : vector<16xi32>
      %parallel_loop3A_121 = tpu.dynamic_gather %parallel_loop3A_81[%parallel_loop3A_120] in [0] : vector<16xf32>, vector<16xi32> -> vector<16xf32>
      %parallel_loop3A_122 = arith.constant 112 : i32
      %parallel_loop3A_123 = arith.addi %parallel_loop3A_76, %parallel_loop3A_122 : i32
      %parallel_loop3A_124 = arith.index_cast %parallel_loop3A_123 : i32 to index
      %parallel_loop3A_125 = tpu.vector_load %arg5[%parallel_loop3A_124] {strides = array<i32>} : memref<32768xf32, #tpu.memory_space<vmem>>, vector<16xf32>,
      %parallel_loop3A_126 = vector.shape_cast %parallel_loop3A_125 : vector<16xf32> to vector<16xf32>
      %parallel_loop3A_127 = vector.shape_cast %parallel_loop3A_121 : vector<16xf32> to vector<16xf32>
      tpu.vector_store %arg5[%parallel_loop3A_124], %parallel_loop3A_127 {strides = array<i32>} : memref<32768xf32, #tpu.memory_space<vmem>>, vector<16xf32>,
      %parallel_loop3A_128 = arith.constant 15 : i32
      %parallel_loop3A_129 = vector.broadcast %parallel_loop3A_128 : i32 to vector<16xi32>
      %parallel_loop3A_130 = tpu.iota {dimensions = array<i32: 0>} : vector<16xi32>
      %parallel_loop3A_131 = arith.subi %parallel_loop3A_129, %parallel_loop3A_130 : vector<16xi32>
      %parallel_loop3A_132 = tpu.dynamic_gather %parallel_loop3A_86[%parallel_loop3A_131] in [0] : vector<16xf32>, vector<16xi32> -> vector<16xf32>
      %parallel_loop3A_133 = arith.constant 96 : i32
      %parallel_loop3A_134 = arith.addi %parallel_loop3A_76, %parallel_loop3A_133 : i32
      %parallel_loop3A_135 = arith.index_cast %parallel_loop3A_134 : i32 to index
      %parallel_loop3A_136 = tpu.vector_load %arg5[%parallel_loop3A_135] {strides = array<i32>} : memref<32768xf32, #tpu.memory_space<vmem>>, vector<16xf32>,
      %parallel_loop3A_137 = vector.shape_cast %parallel_loop3A_136 : vector<16xf32> to vector<16xf32>
      %parallel_loop3A_138 = vector.shape_cast %parallel_loop3A_132 : vector<16xf32> to vector<16xf32>
      tpu.vector_store %arg5[%parallel_loop3A_135], %parallel_loop3A_138 {strides = array<i32>} : memref<32768xf32, #tpu.memory_space<vmem>>, vector<16xf32>,
      %parallel_loop3A_139 = arith.constant 15 : i32
      %parallel_loop3A_140 = vector.broadcast %parallel_loop3A_139 : i32 to vector<16xi32>
      %parallel_loop3A_141 = tpu.iota {dimensions = array<i32: 0>} : vector<16xi32>
      %parallel_loop3A_142 = arith.subi %parallel_loop3A_140, %parallel_loop3A_141 : vector<16xi32>
      %parallel_loop3A_143 = tpu.dynamic_gather %parallel_loop3A_91[%parallel_loop3A_142] in [0] : vector<16xf32>, vector<16xi32> -> vector<16xf32>
      %parallel_loop3A_144 = arith.constant 80 : i32
      %parallel_loop3A_145 = arith.addi %parallel_loop3A_76, %parallel_loop3A_144 : i32
      %parallel_loop3A_146 = arith.index_cast %parallel_loop3A_145 : i32 to index
      %parallel_loop3A_147 = tpu.vector_load %arg5[%parallel_loop3A_146] {strides = array<i32>} : memref<32768xf32, #tpu.memory_space<vmem>>, vector<16xf32>,
      %parallel_loop3A_148 = vector.shape_cast %parallel_loop3A_147 : vector<16xf32> to vector<16xf32>
      %parallel_loop3A_149 = vector.shape_cast %parallel_loop3A_143 : vector<16xf32> to vector<16xf32>
      tpu.vector_store %arg5[%parallel_loop3A_146], %parallel_loop3A_149 {strides = array<i32>} : memref<32768xf32, #tpu.memory_space<vmem>>, vector<16xf32>,
      %parallel_loop3A_150 = arith.constant 15 : i32
      %parallel_loop3A_151 = vector.broadcast %parallel_loop3A_150 : i32 to vector<16xi32>
      %parallel_loop3A_152 = tpu.iota {dimensions = array<i32: 0>} : vector<16xi32>
      %parallel_loop3A_153 = arith.subi %parallel_loop3A_151, %parallel_loop3A_152 : vector<16xi32>
      %parallel_loop3A_154 = tpu.dynamic_gather %parallel_loop3A_96[%parallel_loop3A_153] in [0] : vector<16xf32>, vector<16xi32> -> vector<16xf32>
      %parallel_loop3A_155 = arith.constant 64 : i32
      %parallel_loop3A_156 = arith.addi %parallel_loop3A_76, %parallel_loop3A_155 : i32
      %parallel_loop3A_157 = arith.index_cast %parallel_loop3A_156 : i32 to index
      %parallel_loop3A_158 = tpu.vector_load %arg5[%parallel_loop3A_157] {strides = array<i32>} : memref<32768xf32, #tpu.memory_space<vmem>>, vector<16xf32>,
      %parallel_loop3A_159 = vector.shape_cast %parallel_loop3A_158 : vector<16xf32> to vector<16xf32>
      %parallel_loop3A_160 = vector.shape_cast %parallel_loop3A_154 : vector<16xf32> to vector<16xf32>
      tpu.vector_store %arg5[%parallel_loop3A_157], %parallel_loop3A_160 {strides = array<i32>} : memref<32768xf32, #tpu.memory_space<vmem>>, vector<16xf32>,
      %parallel_loop3A_161 = arith.constant 15 : i32
      %parallel_loop3A_162 = vector.broadcast %parallel_loop3A_161 : i32 to vector<16xi32>
      %parallel_loop3A_163 = tpu.iota {dimensions = array<i32: 0>} : vector<16xi32>
      %parallel_loop3A_164 = arith.subi %parallel_loop3A_162, %parallel_loop3A_163 : vector<16xi32>
      %parallel_loop3A_165 = tpu.dynamic_gather %parallel_loop3A_101[%parallel_loop3A_164] in [0] : vector<16xf32>, vector<16xi32> -> vector<16xf32>
      %parallel_loop3A_166 = arith.constant 48 : i32
      %parallel_loop3A_167 = arith.addi %parallel_loop3A_76, %parallel_loop3A_166 : i32
      %parallel_loop3A_168 = arith.index_cast %parallel_loop3A_167 : i32 to index
      %parallel_loop3A_169 = tpu.vector_load %arg5[%parallel_loop3A_168] {strides = array<i32>} : memref<32768xf32, #tpu.memory_space<vmem>>, vector<16xf32>,
      %parallel_loop3A_170 = vector.shape_cast %parallel_loop3A_169 : vector<16xf32> to vector<16xf32>
      %parallel_loop3A_171 = vector.shape_cast %parallel_loop3A_165 : vector<16xf32> to vector<16xf32>
      tpu.vector_store %arg5[%parallel_loop3A_168], %parallel_loop3A_171 {strides = array<i32>} : memref<32768xf32, #tpu.memory_space<vmem>>, vector<16xf32>,
      %parallel_loop3A_172 = arith.constant 15 : i32
      %parallel_loop3A_173 = vector.broadcast %parallel_loop3A_172 : i32 to vector<16xi32>
      %parallel_loop3A_174 = tpu.iota {dimensions = array<i32: 0>} : vector<16xi32>
      %parallel_loop3A_175 = arith.subi %parallel_loop3A_173, %parallel_loop3A_174 : vector<16xi32>
      %parallel_loop3A_176 = tpu.dynamic_gather %parallel_loop3A_106[%parallel_loop3A_175] in [0] : vector<16xf32>, vector<16xi32> -> vector<16xf32>
      %parallel_loop3A_177 = arith.constant 32 : i32
      %parallel_loop3A_178 = arith.addi %parallel_loop3A_76, %parallel_loop3A_177 : i32
      %parallel_loop3A_179 = arith.index_cast %parallel_loop3A_178 : i32 to index
      %parallel_loop3A_180 = tpu.vector_load %arg5[%parallel_loop3A_179] {strides = array<i32>} : memref<32768xf32, #tpu.memory_space<vmem>>, vector<16xf32>,
      %parallel_loop3A_181 = vector.shape_cast %parallel_loop3A_180 : vector<16xf32> to vector<16xf32>
      %parallel_loop3A_182 = vector.shape_cast %parallel_loop3A_176 : vector<16xf32> to vector<16xf32>
      tpu.vector_store %arg5[%parallel_loop3A_179], %parallel_loop3A_182 {strides = array<i32>} : memref<32768xf32, #tpu.memory_space<vmem>>, vector<16xf32>,
      %parallel_loop3A_183 = arith.constant 15 : i32
      %parallel_loop3A_184 = vector.broadcast %parallel_loop3A_183 : i32 to vector<16xi32>
      %parallel_loop3A_185 = tpu.iota {dimensions = array<i32: 0>} : vector<16xi32>
      %parallel_loop3A_186 = arith.subi %parallel_loop3A_184, %parallel_loop3A_185 : vector<16xi32>
      %parallel_loop3A_187 = tpu.dynamic_gather %parallel_loop3A_111[%parallel_loop3A_186] in [0] : vector<16xf32>, vector<16xi32> -> vector<16xf32>
      %parallel_loop3A_188 = arith.constant 16 : i32
      %parallel_loop3A_189 = arith.addi %parallel_loop3A_76, %parallel_loop3A_188 : i32
      %parallel_loop3A_190 = arith.index_cast %parallel_loop3A_189 : i32 to index
      %parallel_loop3A_191 = tpu.vector_load %arg5[%parallel_loop3A_190] {strides = array<i32>} : memref<32768xf32, #tpu.memory_space<vmem>>, vector<16xf32>,
      %parallel_loop3A_192 = vector.shape_cast %parallel_loop3A_191 : vector<16xf32> to vector<16xf32>
      %parallel_loop3A_193 = vector.shape_cast %parallel_loop3A_187 : vector<16xf32> to vector<16xf32>
      tpu.vector_store %arg5[%parallel_loop3A_190], %parallel_loop3A_193 {strides = array<i32>} : memref<32768xf32, #tpu.memory_space<vmem>>, vector<16xf32>,
      %parallel_loop3A_194 = arith.constant 15 : i32
      %parallel_loop3A_195 = vector.broadcast %parallel_loop3A_194 : i32 to vector<16xi32>
      %parallel_loop3A_196 = tpu.iota {dimensions = array<i32: 0>} : vector<16xi32>
      %parallel_loop3A_197 = arith.subi %parallel_loop3A_195, %parallel_loop3A_196 : vector<16xi32>
      %parallel_loop3A_198 = tpu.dynamic_gather %parallel_loop3A_116[%parallel_loop3A_197] in [0] : vector<16xf32>, vector<16xi32> -> vector<16xf32>
      %parallel_loop3A_199 = arith.constant 0 : i32
      %parallel_loop3A_200 = arith.addi %parallel_loop3A_76, %parallel_loop3A_199 : i32
      %parallel_loop3A_201 = arith.index_cast %parallel_loop3A_200 : i32 to index
      %parallel_loop3A_202 = tpu.vector_load %arg5[%parallel_loop3A_201] {strides = array<i32>} : memref<32768xf32, #tpu.memory_space<vmem>>, vector<16xf32>,
      %parallel_loop3A_203 = vector.shape_cast %parallel_loop3A_202 : vector<16xf32> to vector<16xf32>
      %parallel_loop3A_204 = vector.shape_cast %parallel_loop3A_198 : vector<16xf32> to vector<16xf32>
      tpu.vector_store %arg5[%parallel_loop3A_201], %parallel_loop3A_204 {strides = array<i32>} : memref<32768xf32, #tpu.memory_space<vmem>>, vector<16xf32>,
    } {sc.loop_unroll_factor = 2 : i64, sc.parallel_access}
    %add3A_26 = arith.constant 0 : i32
    %add3A_27 = arith.addi %mul3A_4, %add3A_26 : i32
    %dma_start3A_28 = tpu.memref_slice %arg3[%add3A_27] : memref<2097152xf32, #tpu.memory_space<hbm>> -> memref<32768xf32, #tpu.memory_space<hbm>>
    %dma_start3A_29 = tpu.memref_slice %arg3[%add3A_27] : memref<2097152xf32, #tpu.memory_space<hbm>> -> memref<32768xf32, #tpu.memory_space<hbm>>
    tpu.enqueue_dma source(%arg5 : memref<32768xf32, #tpu.memory_space<vmem>>) target(%dma_start3A_29 : memref<32768xf32, #tpu.memory_space<hbm>>) target_semaphore(%arg10 : memref<!tpu.dma_semaphore, #tpu.memory_space<semaphore_mem>>)
    %dma_wait3A_30 = tpu.memref_slice %arg2[%add3A_9] : memref<2097152xf32, #tpu.memory_space<hbm>> -> memref<32768xf32, #tpu.memory_space<hbm>>
    %dma_wait3A_31 = tpu.memref_slice %arg2[%add3A_9] : memref<2097152xf32, #tpu.memory_space<hbm>> -> memref<32768xf32, #tpu.memory_space<hbm>>
    tpu.wait_dma2 semaphore(%arg9 : memref<!tpu.dma_semaphore, #tpu.memory_space<semaphore_mem>>) src(%dma_wait3A_31 : memref<32768xf32, #tpu.memory_space<hbm>>) dst(%arg6 : memref<32768xf32, #tpu.memory_space<vmem>>)
    %parallel_loop3A_32 = arith.constant 0 : i32
    %parallel_loop3A_33 = arith.constant 128 : i32
    %parallel_loop3A_34 = arith.constant 1 : i32
    scf.for %parallel_loop3A_74 = %parallel_loop3A_32 to %parallel_loop3A_33 step %parallel_loop3A_34  : i32 {
      %parallel_loop3A_75 = arith.constant 128 : i32
      %parallel_loop3A_76 = arith.muli %parallel_loop3A_74, %parallel_loop3A_75 : i32
      %parallel_loop3A_77 = arith.constant 0 : i32
      %parallel_loop3A_78 = arith.addi %parallel_loop3A_76, %parallel_loop3A_77 : i32
      %parallel_loop3A_79 = arith.index_cast %parallel_loop3A_78 : i32 to index
      %parallel_loop3A_80 = tpu.vector_load %arg6[%parallel_loop3A_79] {strides = array<i32>} : memref<32768xf32, #tpu.memory_space<vmem>>, vector<16xf32>,
      %parallel_loop3A_81 = vector.shape_cast %parallel_loop3A_80 : vector<16xf32> to vector<16xf32>
      %parallel_loop3A_82 = arith.constant 16 : i32
      %parallel_loop3A_83 = arith.addi %parallel_loop3A_76, %parallel_loop3A_82 : i32
      %parallel_loop3A_84 = arith.index_cast %parallel_loop3A_83 : i32 to index
      %parallel_loop3A_85 = tpu.vector_load %arg6[%parallel_loop3A_84] {strides = array<i32>} : memref<32768xf32, #tpu.memory_space<vmem>>, vector<16xf32>,
      %parallel_loop3A_86 = vector.shape_cast %parallel_loop3A_85 : vector<16xf32> to vector<16xf32>
      %parallel_loop3A_87 = arith.constant 32 : i32
      %parallel_loop3A_88 = arith.addi %parallel_loop3A_76, %parallel_loop3A_87 : i32
      %parallel_loop3A_89 = arith.index_cast %parallel_loop3A_88 : i32 to index
      %parallel_loop3A_90 = tpu.vector_load %arg6[%parallel_loop3A_89] {strides = array<i32>} : memref<32768xf32, #tpu.memory_space<vmem>>, vector<16xf32>,
      %parallel_loop3A_91 = vector.shape_cast %parallel_loop3A_90 : vector<16xf32> to vector<16xf32>
      %parallel_loop3A_92 = arith.constant 48 : i32
      %parallel_loop3A_93 = arith.addi %parallel_loop3A_76, %parallel_loop3A_92 : i32
      %parallel_loop3A_94 = arith.index_cast %parallel_loop3A_93 : i32 to index
      %parallel_loop3A_95 = tpu.vector_load %arg6[%parallel_loop3A_94] {strides = array<i32>} : memref<32768xf32, #tpu.memory_space<vmem>>, vector<16xf32>,
      %parallel_loop3A_96 = vector.shape_cast %parallel_loop3A_95 : vector<16xf32> to vector<16xf32>
      %parallel_loop3A_97 = arith.constant 64 : i32
      %parallel_loop3A_98 = arith.addi %parallel_loop3A_76, %parallel_loop3A_97 : i32
      %parallel_loop3A_99 = arith.index_cast %parallel_loop3A_98 : i32 to index
      %parallel_loop3A_100 = tpu.vector_load %arg6[%parallel_loop3A_99] {strides = array<i32>} : memref<32768xf32, #tpu.memory_space<vmem>>, vector<16xf32>,
      %parallel_loop3A_101 = vector.shape_cast %parallel_loop3A_100 : vector<16xf32> to vector<16xf32>
      %parallel_loop3A_102 = arith.constant 80 : i32
      %parallel_loop3A_103 = arith.addi %parallel_loop3A_76, %parallel_loop3A_102 : i32
      %parallel_loop3A_104 = arith.index_cast %parallel_loop3A_103 : i32 to index
      %parallel_loop3A_105 = tpu.vector_load %arg6[%parallel_loop3A_104] {strides = array<i32>} : memref<32768xf32, #tpu.memory_space<vmem>>, vector<16xf32>,
      %parallel_loop3A_106 = vector.shape_cast %parallel_loop3A_105 : vector<16xf32> to vector<16xf32>
      %parallel_loop3A_107 = arith.constant 96 : i32
      %parallel_loop3A_108 = arith.addi %parallel_loop3A_76, %parallel_loop3A_107 : i32
      %parallel_loop3A_109 = arith.index_cast %parallel_loop3A_108 : i32 to index
      %parallel_loop3A_110 = tpu.vector_load %arg6[%parallel_loop3A_109] {strides = array<i32>} : memref<32768xf32, #tpu.memory_space<vmem>>, vector<16xf32>,
      %parallel_loop3A_111 = vector.shape_cast %parallel_loop3A_110 : vector<16xf32> to vector<16xf32>
      %parallel_loop3A_112 = arith.constant 112 : i32
      %parallel_loop3A_113 = arith.addi %parallel_loop3A_76, %parallel_loop3A_112 : i32
      %parallel_loop3A_114 = arith.index_cast %parallel_loop3A_113 : i32 to index
      %parallel_loop3A_115 = tpu.vector_load %arg6[%parallel_loop3A_114] {strides = array<i32>} : memref<32768xf32, #tpu.memory_space<vmem>>, vector<16xf32>,
      %parallel_loop3A_116 = vector.shape_cast %parallel_loop3A_115 : vector<16xf32> to vector<16xf32>
      %parallel_loop3A_117 = arith.constant 15 : i32
      %parallel_loop3A_118 = vector.broadcast %parallel_loop3A_117 : i32 to vector<16xi32>
      %parallel_loop3A_119 = tpu.iota {dimensions = array<i32: 0>} : vector<16xi32>
      %parallel_loop3A_120 = arith.subi %parallel_loop3A_118, %parallel_loop3A_119 : vector<16xi32>
      %parallel_loop3A_121 = tpu.dynamic_gather %parallel_loop3A_81[%parallel_loop3A_120] in [0] : vector<16xf32>, vector<16xi32> -> vector<16xf32>
      %parallel_loop3A_122 = arith.constant 112 : i32
      %parallel_loop3A_123 = arith.addi %parallel_loop3A_76, %parallel_loop3A_122 : i32
      %parallel_loop3A_124 = arith.index_cast %parallel_loop3A_123 : i32 to index
      %parallel_loop3A_125 = tpu.vector_load %arg6[%parallel_loop3A_124] {strides = array<i32>} : memref<32768xf32, #tpu.memory_space<vmem>>, vector<16xf32>,
      %parallel_loop3A_126 = vector.shape_cast %parallel_loop3A_125 : vector<16xf32> to vector<16xf32>
      %parallel_loop3A_127 = vector.shape_cast %parallel_loop3A_121 : vector<16xf32> to vector<16xf32>
      tpu.vector_store %arg6[%parallel_loop3A_124], %parallel_loop3A_127 {strides = array<i32>} : memref<32768xf32, #tpu.memory_space<vmem>>, vector<16xf32>,
      %parallel_loop3A_128 = arith.constant 15 : i32
      %parallel_loop3A_129 = vector.broadcast %parallel_loop3A_128 : i32 to vector<16xi32>
      %parallel_loop3A_130 = tpu.iota {dimensions = array<i32: 0>} : vector<16xi32>
      %parallel_loop3A_131 = arith.subi %parallel_loop3A_129, %parallel_loop3A_130 : vector<16xi32>
      %parallel_loop3A_132 = tpu.dynamic_gather %parallel_loop3A_86[%parallel_loop3A_131] in [0] : vector<16xf32>, vector<16xi32> -> vector<16xf32>
      %parallel_loop3A_133 = arith.constant 96 : i32
      %parallel_loop3A_134 = arith.addi %parallel_loop3A_76, %parallel_loop3A_133 : i32
      %parallel_loop3A_135 = arith.index_cast %parallel_loop3A_134 : i32 to index
      %parallel_loop3A_136 = tpu.vector_load %arg6[%parallel_loop3A_135] {strides = array<i32>} : memref<32768xf32, #tpu.memory_space<vmem>>, vector<16xf32>,
      %parallel_loop3A_137 = vector.shape_cast %parallel_loop3A_136 : vector<16xf32> to vector<16xf32>
      %parallel_loop3A_138 = vector.shape_cast %parallel_loop3A_132 : vector<16xf32> to vector<16xf32>
      tpu.vector_store %arg6[%parallel_loop3A_135], %parallel_loop3A_138 {strides = array<i32>} : memref<32768xf32, #tpu.memory_space<vmem>>, vector<16xf32>,
      %parallel_loop3A_139 = arith.constant 15 : i32
      %parallel_loop3A_140 = vector.broadcast %parallel_loop3A_139 : i32 to vector<16xi32>
      %parallel_loop3A_141 = tpu.iota {dimensions = array<i32: 0>} : vector<16xi32>
      %parallel_loop3A_142 = arith.subi %parallel_loop3A_140, %parallel_loop3A_141 : vector<16xi32>
      %parallel_loop3A_143 = tpu.dynamic_gather %parallel_loop3A_91[%parallel_loop3A_142] in [0] : vector<16xf32>, vector<16xi32> -> vector<16xf32>
      %parallel_loop3A_144 = arith.constant 80 : i32
      %parallel_loop3A_145 = arith.addi %parallel_loop3A_76, %parallel_loop3A_144 : i32
      %parallel_loop3A_146 = arith.index_cast %parallel_loop3A_145 : i32 to index
      %parallel_loop3A_147 = tpu.vector_load %arg6[%parallel_loop3A_146] {strides = array<i32>} : memref<32768xf32, #tpu.memory_space<vmem>>, vector<16xf32>,
      %parallel_loop3A_148 = vector.shape_cast %parallel_loop3A_147 : vector<16xf32> to vector<16xf32>
      %parallel_loop3A_149 = vector.shape_cast %parallel_loop3A_143 : vector<16xf32> to vector<16xf32>
      tpu.vector_store %arg6[%parallel_loop3A_146], %parallel_loop3A_149 {strides = array<i32>} : memref<32768xf32, #tpu.memory_space<vmem>>, vector<16xf32>,
      %parallel_loop3A_150 = arith.constant 15 : i32
      %parallel_loop3A_151 = vector.broadcast %parallel_loop3A_150 : i32 to vector<16xi32>
      %parallel_loop3A_152 = tpu.iota {dimensions = array<i32: 0>} : vector<16xi32>
      %parallel_loop3A_153 = arith.subi %parallel_loop3A_151, %parallel_loop3A_152 : vector<16xi32>
      %parallel_loop3A_154 = tpu.dynamic_gather %parallel_loop3A_96[%parallel_loop3A_153] in [0] : vector<16xf32>, vector<16xi32> -> vector<16xf32>
      %parallel_loop3A_155 = arith.constant 64 : i32
      %parallel_loop3A_156 = arith.addi %parallel_loop3A_76, %parallel_loop3A_155 : i32
      %parallel_loop3A_157 = arith.index_cast %parallel_loop3A_156 : i32 to index
      %parallel_loop3A_158 = tpu.vector_load %arg6[%parallel_loop3A_157] {strides = array<i32>} : memref<32768xf32, #tpu.memory_space<vmem>>, vector<16xf32>,
      %parallel_loop3A_159 = vector.shape_cast %parallel_loop3A_158 : vector<16xf32> to vector<16xf32>
      %parallel_loop3A_160 = vector.shape_cast %parallel_loop3A_154 : vector<16xf32> to vector<16xf32>
      tpu.vector_store %arg6[%parallel_loop3A_157], %parallel_loop3A_160 {strides = array<i32>} : memref<32768xf32, #tpu.memory_space<vmem>>, vector<16xf32>,
      %parallel_loop3A_161 = arith.constant 15 : i32
      %parallel_loop3A_162 = vector.broadcast %parallel_loop3A_161 : i32 to vector<16xi32>
      %parallel_loop3A_163 = tpu.iota {dimensions = array<i32: 0>} : vector<16xi32>
      %parallel_loop3A_164 = arith.subi %parallel_loop3A_162, %parallel_loop3A_163 : vector<16xi32>
      %parallel_loop3A_165 = tpu.dynamic_gather %parallel_loop3A_101[%parallel_loop3A_164] in [0] : vector<16xf32>, vector<16xi32> -> vector<16xf32>
      %parallel_loop3A_166 = arith.constant 48 : i32
      %parallel_loop3A_167 = arith.addi %parallel_loop3A_76, %parallel_loop3A_166 : i32
      %parallel_loop3A_168 = arith.index_cast %parallel_loop3A_167 : i32 to index
      %parallel_loop3A_169 = tpu.vector_load %arg6[%parallel_loop3A_168] {strides = array<i32>} : memref<32768xf32, #tpu.memory_space<vmem>>, vector<16xf32>,
      %parallel_loop3A_170 = vector.shape_cast %parallel_loop3A_169 : vector<16xf32> to vector<16xf32>
      %parallel_loop3A_171 = vector.shape_cast %parallel_loop3A_165 : vector<16xf32> to vector<16xf32>
      tpu.vector_store %arg6[%parallel_loop3A_168], %parallel_loop3A_171 {strides = array<i32>} : memref<32768xf32, #tpu.memory_space<vmem>>, vector<16xf32>,
      %parallel_loop3A_172 = arith.constant 15 : i32
      %parallel_loop3A_173 = vector.broadcast %parallel_loop3A_172 : i32 to vector<16xi32>
      %parallel_loop3A_174 = tpu.iota {dimensions = array<i32: 0>} : vector<16xi32>
      %parallel_loop3A_175 = arith.subi %parallel_loop3A_173, %parallel_loop3A_174 : vector<16xi32>
      %parallel_loop3A_176 = tpu.dynamic_gather %parallel_loop3A_106[%parallel_loop3A_175] in [0] : vector<16xf32>, vector<16xi32> -> vector<16xf32>
      %parallel_loop3A_177 = arith.constant 32 : i32
      %parallel_loop3A_178 = arith.addi %parallel_loop3A_76, %parallel_loop3A_177 : i32
      %parallel_loop3A_179 = arith.index_cast %parallel_loop3A_178 : i32 to index
      %parallel_loop3A_180 = tpu.vector_load %arg6[%parallel_loop3A_179] {strides = array<i32>} : memref<32768xf32, #tpu.memory_space<vmem>>, vector<16xf32>,
      %parallel_loop3A_181 = vector.shape_cast %parallel_loop3A_180 : vector<16xf32> to vector<16xf32>
      %parallel_loop3A_182 = vector.shape_cast %parallel_loop3A_176 : vector<16xf32> to vector<16xf32>
      tpu.vector_store %arg6[%parallel_loop3A_179], %parallel_loop3A_182 {strides = array<i32>} : memref<32768xf32, #tpu.memory_space<vmem>>, vector<16xf32>,
      %parallel_loop3A_183 = arith.constant 15 : i32
      %parallel_loop3A_184 = vector.broadcast %parallel_loop3A_183 : i32 to vector<16xi32>
      %parallel_loop3A_185 = tpu.iota {dimensions = array<i32: 0>} : vector<16xi32>
      %parallel_loop3A_186 = arith.subi %parallel_loop3A_184, %parallel_loop3A_185 : vector<16xi32>
      %parallel_loop3A_187 = tpu.dynamic_gather %parallel_loop3A_111[%parallel_loop3A_186] in [0] : vector<16xf32>, vector<16xi32> -> vector<16xf32>
      %parallel_loop3A_188 = arith.constant 16 : i32
      %parallel_loop3A_189 = arith.addi %parallel_loop3A_76, %parallel_loop3A_188 : i32
      %parallel_loop3A_190 = arith.index_cast %parallel_loop3A_189 : i32 to index
      %parallel_loop3A_191 = tpu.vector_load %arg6[%parallel_loop3A_190] {strides = array<i32>} : memref<32768xf32, #tpu.memory_space<vmem>>, vector<16xf32>,
      %parallel_loop3A_192 = vector.shape_cast %parallel_loop3A_191 : vector<16xf32> to vector<16xf32>
      %parallel_loop3A_193 = vector.shape_cast %parallel_loop3A_187 : vector<16xf32> to vector<16xf32>
      tpu.vector_store %arg6[%parallel_loop3A_190], %parallel_loop3A_193 {strides = array<i32>} : memref<32768xf32, #tpu.memory_space<vmem>>, vector<16xf32>,
      %parallel_loop3A_194 = arith.constant 15 : i32
      %parallel_loop3A_195 = vector.broadcast %parallel_loop3A_194 : i32 to vector<16xi32>
      %parallel_loop3A_196 = tpu.iota {dimensions = array<i32: 0>} : vector<16xi32>
      %parallel_loop3A_197 = arith.subi %parallel_loop3A_195, %parallel_loop3A_196 : vector<16xi32>
      %parallel_loop3A_198 = tpu.dynamic_gather %parallel_loop3A_116[%parallel_loop3A_197] in [0] : vector<16xf32>, vector<16xi32> -> vector<16xf32>
      %parallel_loop3A_199 = arith.constant 0 : i32
      %parallel_loop3A_200 = arith.addi %parallel_loop3A_76, %parallel_loop3A_199 : i32
      %parallel_loop3A_201 = arith.index_cast %parallel_loop3A_200 : i32 to index
      %parallel_loop3A_202 = tpu.vector_load %arg6[%parallel_loop3A_201] {strides = array<i32>} : memref<32768xf32, #tpu.memory_space<vmem>>, vector<16xf32>,
      %parallel_loop3A_203 = vector.shape_cast %parallel_loop3A_202 : vector<16xf32> to vector<16xf32>
      %parallel_loop3A_204 = vector.shape_cast %parallel_loop3A_198 : vector<16xf32> to vector<16xf32>
      tpu.vector_store %arg6[%parallel_loop3A_201], %parallel_loop3A_204 {strides = array<i32>} : memref<32768xf32, #tpu.memory_space<vmem>>, vector<16xf32>,
    } {sc.loop_unroll_factor = 2 : i64, sc.parallel_access}
    %add3A_35 = arith.constant 32768 : i32
    %add3A_36 = arith.addi %mul3A_4, %add3A_35 : i32
    %add3A_37 = arith.constant 0 : i32
    %add3A_38 = arith.addi %add3A_36, %add3A_37 : i32
    %dma_start3A_39 = arith.constant 0 : i32
    %dma_start3A_40 = tpu.memref_slice %arg6[%dma_start3A_39] : memref<32768xf32, #tpu.memory_space<vmem>> -> memref<16384xf32, #tpu.memory_space<vmem>>
    %dma_start3A_41 = tpu.memref_slice %arg3[%add3A_38] : memref<2097152xf32, #tpu.memory_space<hbm>> -> memref<16384xf32, #tpu.memory_space<hbm>>
    %dma_start3A_42 = tpu.memref_slice %arg3[%add3A_38] : memref<2097152xf32, #tpu.memory_space<hbm>> -> memref<16384xf32, #tpu.memory_space<hbm>>
    %dma_start3A_43 = arith.constant 0 : i32
    %dma_start3A_44 = tpu.memref_slice %arg6[%dma_start3A_43] : memref<32768xf32, #tpu.memory_space<vmem>> -> memref<16384xf32, #tpu.memory_space<vmem>>
    tpu.enqueue_dma source(%dma_start3A_44 : memref<16384xf32, #tpu.memory_space<vmem>>) target(%dma_start3A_42 : memref<16384xf32, #tpu.memory_space<hbm>>) target_semaphore(%arg12 : memref<!tpu.dma_semaphore, #tpu.memory_space<semaphore_mem>>)
    %parallel_loop3A_45 = arith.constant 128 : i32
    %parallel_loop3A_46 = arith.constant 256 : i32
    %parallel_loop3A_47 = arith.constant 1 : i32
    scf.for %parallel_loop3A_74 = %parallel_loop3A_45 to %parallel_loop3A_46 step %parallel_loop3A_47  : i32 {
      %parallel_loop3A_75 = arith.constant 128 : i32
      %parallel_loop3A_76 = arith.muli %parallel_loop3A_74, %parallel_loop3A_75 : i32
      %parallel_loop3A_77 = arith.constant 0 : i32
      %parallel_loop3A_78 = arith.addi %parallel_loop3A_76, %parallel_loop3A_77 : i32
      %parallel_loop3A_79 = arith.index_cast %parallel_loop3A_78 : i32 to index
      %parallel_loop3A_80 = tpu.vector_load %arg6[%parallel_loop3A_79] {strides = array<i32>} : memref<32768xf32, #tpu.memory_space<vmem>>, vector<16xf32>,
      %parallel_loop3A_81 = vector.shape_cast %parallel_loop3A_80 : vector<16xf32> to vector<16xf32>
      %parallel_loop3A_82 = arith.constant 16 : i32
      %parallel_loop3A_83 = arith.addi %parallel_loop3A_76, %parallel_loop3A_82 : i32
      %parallel_loop3A_84 = arith.index_cast %parallel_loop3A_83 : i32 to index
      %parallel_loop3A_85 = tpu.vector_load %arg6[%parallel_loop3A_84] {strides = array<i32>} : memref<32768xf32, #tpu.memory_space<vmem>>, vector<16xf32>,
      %parallel_loop3A_86 = vector.shape_cast %parallel_loop3A_85 : vector<16xf32> to vector<16xf32>
      %parallel_loop3A_87 = arith.constant 32 : i32
      %parallel_loop3A_88 = arith.addi %parallel_loop3A_76, %parallel_loop3A_87 : i32
      %parallel_loop3A_89 = arith.index_cast %parallel_loop3A_88 : i32 to index
      %parallel_loop3A_90 = tpu.vector_load %arg6[%parallel_loop3A_89] {strides = array<i32>} : memref<32768xf32, #tpu.memory_space<vmem>>, vector<16xf32>,
      %parallel_loop3A_91 = vector.shape_cast %parallel_loop3A_90 : vector<16xf32> to vector<16xf32>
      %parallel_loop3A_92 = arith.constant 48 : i32
      %parallel_loop3A_93 = arith.addi %parallel_loop3A_76, %parallel_loop3A_92 : i32
      %parallel_loop3A_94 = arith.index_cast %parallel_loop3A_93 : i32 to index
      %parallel_loop3A_95 = tpu.vector_load %arg6[%parallel_loop3A_94] {strides = array<i32>} : memref<32768xf32, #tpu.memory_space<vmem>>, vector<16xf32>,
      %parallel_loop3A_96 = vector.shape_cast %parallel_loop3A_95 : vector<16xf32> to vector<16xf32>
      %parallel_loop3A_97 = arith.constant 64 : i32
      %parallel_loop3A_98 = arith.addi %parallel_loop3A_76, %parallel_loop3A_97 : i32
      %parallel_loop3A_99 = arith.index_cast %parallel_loop3A_98 : i32 to index
      %parallel_loop3A_100 = tpu.vector_load %arg6[%parallel_loop3A_99] {strides = array<i32>} : memref<32768xf32, #tpu.memory_space<vmem>>, vector<16xf32>,
      %parallel_loop3A_101 = vector.shape_cast %parallel_loop3A_100 : vector<16xf32> to vector<16xf32>
      %parallel_loop3A_102 = arith.constant 80 : i32
      %parallel_loop3A_103 = arith.addi %parallel_loop3A_76, %parallel_loop3A_102 : i32
      %parallel_loop3A_104 = arith.index_cast %parallel_loop3A_103 : i32 to index
      %parallel_loop3A_105 = tpu.vector_load %arg6[%parallel_loop3A_104] {strides = array<i32>} : memref<32768xf32, #tpu.memory_space<vmem>>, vector<16xf32>,
      %parallel_loop3A_106 = vector.shape_cast %parallel_loop3A_105 : vector<16xf32> to vector<16xf32>
      %parallel_loop3A_107 = arith.constant 96 : i32
      %parallel_loop3A_108 = arith.addi %parallel_loop3A_76, %parallel_loop3A_107 : i32
      %parallel_loop3A_109 = arith.index_cast %parallel_loop3A_108 : i32 to index
      %parallel_loop3A_110 = tpu.vector_load %arg6[%parallel_loop3A_109] {strides = array<i32>} : memref<32768xf32, #tpu.memory_space<vmem>>, vector<16xf32>,
      %parallel_loop3A_111 = vector.shape_cast %parallel_loop3A_110 : vector<16xf32> to vector<16xf32>
      %parallel_loop3A_112 = arith.constant 112 : i32
      %parallel_loop3A_113 = arith.addi %parallel_loop3A_76, %parallel_loop3A_112 : i32
      %parallel_loop3A_114 = arith.index_cast %parallel_loop3A_113 : i32 to index
      %parallel_loop3A_115 = tpu.vector_load %arg6[%parallel_loop3A_114] {strides = array<i32>} : memref<32768xf32, #tpu.memory_space<vmem>>, vector<16xf32>,
      %parallel_loop3A_116 = vector.shape_cast %parallel_loop3A_115 : vector<16xf32> to vector<16xf32>
      %parallel_loop3A_117 = arith.constant 15 : i32
      %parallel_loop3A_118 = vector.broadcast %parallel_loop3A_117 : i32 to vector<16xi32>
      %parallel_loop3A_119 = tpu.iota {dimensions = array<i32: 0>} : vector<16xi32>
      %parallel_loop3A_120 = arith.subi %parallel_loop3A_118, %parallel_loop3A_119 : vector<16xi32>
      %parallel_loop3A_121 = tpu.dynamic_gather %parallel_loop3A_81[%parallel_loop3A_120] in [0] : vector<16xf32>, vector<16xi32> -> vector<16xf32>
      %parallel_loop3A_122 = arith.constant 112 : i32
      %parallel_loop3A_123 = arith.addi %parallel_loop3A_76, %parallel_loop3A_122 : i32
      %parallel_loop3A_124 = arith.index_cast %parallel_loop3A_123 : i32 to index
      %parallel_loop3A_125 = tpu.vector_load %arg6[%parallel_loop3A_124] {strides = array<i32>} : memref<32768xf32, #tpu.memory_space<vmem>>, vector<16xf32>,
      %parallel_loop3A_126 = vector.shape_cast %parallel_loop3A_125 : vector<16xf32> to vector<16xf32>
      %parallel_loop3A_127 = vector.shape_cast %parallel_loop3A_121 : vector<16xf32> to vector<16xf32>
      tpu.vector_store %arg6[%parallel_loop3A_124], %parallel_loop3A_127 {strides = array<i32>} : memref<32768xf32, #tpu.memory_space<vmem>>, vector<16xf32>,
      %parallel_loop3A_128 = arith.constant 15 : i32
      %parallel_loop3A_129 = vector.broadcast %parallel_loop3A_128 : i32 to vector<16xi32>
      %parallel_loop3A_130 = tpu.iota {dimensions = array<i32: 0>} : vector<16xi32>
      %parallel_loop3A_131 = arith.subi %parallel_loop3A_129, %parallel_loop3A_130 : vector<16xi32>
      %parallel_loop3A_132 = tpu.dynamic_gather %parallel_loop3A_86[%parallel_loop3A_131] in [0] : vector<16xf32>, vector<16xi32> -> vector<16xf32>
      %parallel_loop3A_133 = arith.constant 96 : i32
      %parallel_loop3A_134 = arith.addi %parallel_loop3A_76, %parallel_loop3A_133 : i32
      %parallel_loop3A_135 = arith.index_cast %parallel_loop3A_134 : i32 to index
      %parallel_loop3A_136 = tpu.vector_load %arg6[%parallel_loop3A_135] {strides = array<i32>} : memref<32768xf32, #tpu.memory_space<vmem>>, vector<16xf32>,
      %parallel_loop3A_137 = vector.shape_cast %parallel_loop3A_136 : vector<16xf32> to vector<16xf32>
      %parallel_loop3A_138 = vector.shape_cast %parallel_loop3A_132 : vector<16xf32> to vector<16xf32>
      tpu.vector_store %arg6[%parallel_loop3A_135], %parallel_loop3A_138 {strides = array<i32>} : memref<32768xf32, #tpu.memory_space<vmem>>, vector<16xf32>,
      %parallel_loop3A_139 = arith.constant 15 : i32
      %parallel_loop3A_140 = vector.broadcast %parallel_loop3A_139 : i32 to vector<16xi32>
      %parallel_loop3A_141 = tpu.iota {dimensions = array<i32: 0>} : vector<16xi32>
      %parallel_loop3A_142 = arith.subi %parallel_loop3A_140, %parallel_loop3A_141 : vector<16xi32>
      %parallel_loop3A_143 = tpu.dynamic_gather %parallel_loop3A_91[%parallel_loop3A_142] in [0] : vector<16xf32>, vector<16xi32> -> vector<16xf32>
      %parallel_loop3A_144 = arith.constant 80 : i32
      %parallel_loop3A_145 = arith.addi %parallel_loop3A_76, %parallel_loop3A_144 : i32
      %parallel_loop3A_146 = arith.index_cast %parallel_loop3A_145 : i32 to index
      %parallel_loop3A_147 = tpu.vector_load %arg6[%parallel_loop3A_146] {strides = array<i32>} : memref<32768xf32, #tpu.memory_space<vmem>>, vector<16xf32>,
      %parallel_loop3A_148 = vector.shape_cast %parallel_loop3A_147 : vector<16xf32> to vector<16xf32>
      %parallel_loop3A_149 = vector.shape_cast %parallel_loop3A_143 : vector<16xf32> to vector<16xf32>
      tpu.vector_store %arg6[%parallel_loop3A_146], %parallel_loop3A_149 {strides = array<i32>} : memref<32768xf32, #tpu.memory_space<vmem>>, vector<16xf32>,
      %parallel_loop3A_150 = arith.constant 15 : i32
      %parallel_loop3A_151 = vector.broadcast %parallel_loop3A_150 : i32 to vector<16xi32>
      %parallel_loop3A_152 = tpu.iota {dimensions = array<i32: 0>} : vector<16xi32>
      %parallel_loop3A_153 = arith.subi %parallel_loop3A_151, %parallel_loop3A_152 : vector<16xi32>
      %parallel_loop3A_154 = tpu.dynamic_gather %parallel_loop3A_96[%parallel_loop3A_153] in [0] : vector<16xf32>, vector<16xi32> -> vector<16xf32>
      %parallel_loop3A_155 = arith.constant 64 : i32
      %parallel_loop3A_156 = arith.addi %parallel_loop3A_76, %parallel_loop3A_155 : i32
      %parallel_loop3A_157 = arith.index_cast %parallel_loop3A_156 : i32 to index
      %parallel_loop3A_158 = tpu.vector_load %arg6[%parallel_loop3A_157] {strides = array<i32>} : memref<32768xf32, #tpu.memory_space<vmem>>, vector<16xf32>,
      %parallel_loop3A_159 = vector.shape_cast %parallel_loop3A_158 : vector<16xf32> to vector<16xf32>
      %parallel_loop3A_160 = vector.shape_cast %parallel_loop3A_154 : vector<16xf32> to vector<16xf32>
      tpu.vector_store %arg6[%parallel_loop3A_157], %parallel_loop3A_160 {strides = array<i32>} : memref<32768xf32, #tpu.memory_space<vmem>>, vector<16xf32>,
      %parallel_loop3A_161 = arith.constant 15 : i32
      %parallel_loop3A_162 = vector.broadcast %parallel_loop3A_161 : i32 to vector<16xi32>
      %parallel_loop3A_163 = tpu.iota {dimensions = array<i32: 0>} : vector<16xi32>
      %parallel_loop3A_164 = arith.subi %parallel_loop3A_162, %parallel_loop3A_163 : vector<16xi32>
      %parallel_loop3A_165 = tpu.dynamic_gather %parallel_loop3A_101[%parallel_loop3A_164] in [0] : vector<16xf32>, vector<16xi32> -> vector<16xf32>
      %parallel_loop3A_166 = arith.constant 48 : i32
      %parallel_loop3A_167 = arith.addi %parallel_loop3A_76, %parallel_loop3A_166 : i32
      %parallel_loop3A_168 = arith.index_cast %parallel_loop3A_167 : i32 to index
      %parallel_loop3A_169 = tpu.vector_load %arg6[%parallel_loop3A_168] {strides = array<i32>} : memref<32768xf32, #tpu.memory_space<vmem>>, vector<16xf32>,
      %parallel_loop3A_170 = vector.shape_cast %parallel_loop3A_169 : vector<16xf32> to vector<16xf32>
      %parallel_loop3A_171 = vector.shape_cast %parallel_loop3A_165 : vector<16xf32> to vector<16xf32>
      tpu.vector_store %arg6[%parallel_loop3A_168], %parallel_loop3A_171 {strides = array<i32>} : memref<32768xf32, #tpu.memory_space<vmem>>, vector<16xf32>,
      %parallel_loop3A_172 = arith.constant 15 : i32
      %parallel_loop3A_173 = vector.broadcast %parallel_loop3A_172 : i32 to vector<16xi32>
      %parallel_loop3A_174 = tpu.iota {dimensions = array<i32: 0>} : vector<16xi32>
      %parallel_loop3A_175 = arith.subi %parallel_loop3A_173, %parallel_loop3A_174 : vector<16xi32>
      %parallel_loop3A_176 = tpu.dynamic_gather %parallel_loop3A_106[%parallel_loop3A_175] in [0] : vector<16xf32>, vector<16xi32> -> vector<16xf32>
      %parallel_loop3A_177 = arith.constant 32 : i32
      %parallel_loop3A_178 = arith.addi %parallel_loop3A_76, %parallel_loop3A_177 : i32
      %parallel_loop3A_179 = arith.index_cast %parallel_loop3A_178 : i32 to index
      %parallel_loop3A_180 = tpu.vector_load %arg6[%parallel_loop3A_179] {strides = array<i32>} : memref<32768xf32, #tpu.memory_space<vmem>>, vector<16xf32>,
      %parallel_loop3A_181 = vector.shape_cast %parallel_loop3A_180 : vector<16xf32> to vector<16xf32>
      %parallel_loop3A_182 = vector.shape_cast %parallel_loop3A_176 : vector<16xf32> to vector<16xf32>
      tpu.vector_store %arg6[%parallel_loop3A_179], %parallel_loop3A_182 {strides = array<i32>} : memref<32768xf32, #tpu.memory_space<vmem>>, vector<16xf32>,
      %parallel_loop3A_183 = arith.constant 15 : i32
      %parallel_loop3A_184 = vector.broadcast %parallel_loop3A_183 : i32 to vector<16xi32>
      %parallel_loop3A_185 = tpu.iota {dimensions = array<i32: 0>} : vector<16xi32>
      %parallel_loop3A_186 = arith.subi %parallel_loop3A_184, %parallel_loop3A_185 : vector<16xi32>
      %parallel_loop3A_187 = tpu.dynamic_gather %parallel_loop3A_111[%parallel_loop3A_186] in [0] : vector<16xf32>, vector<16xi32> -> vector<16xf32>
      %parallel_loop3A_188 = arith.constant 16 : i32
      %parallel_loop3A_189 = arith.addi %parallel_loop3A_76, %parallel_loop3A_188 : i32
      %parallel_loop3A_190 = arith.index_cast %parallel_loop3A_189 : i32 to index
      %parallel_loop3A_191 = tpu.vector_load %arg6[%parallel_loop3A_190] {strides = array<i32>} : memref<32768xf32, #tpu.memory_space<vmem>>, vector<16xf32>,
      %parallel_loop3A_192 = vector.shape_cast %parallel_loop3A_191 : vector<16xf32> to vector<16xf32>
      %parallel_loop3A_193 = vector.shape_cast %parallel_loop3A_187 : vector<16xf32> to vector<16xf32>
      tpu.vector_store %arg6[%parallel_loop3A_190], %parallel_loop3A_193 {strides = array<i32>} : memref<32768xf32, #tpu.memory_space<vmem>>, vector<16xf32>,
      %parallel_loop3A_194 = arith.constant 15 : i32
      %parallel_loop3A_195 = vector.broadcast %parallel_loop3A_194 : i32 to vector<16xi32>
      %parallel_loop3A_196 = tpu.iota {dimensions = array<i32: 0>} : vector<16xi32>
      %parallel_loop3A_197 = arith.subi %parallel_loop3A_195, %parallel_loop3A_196 : vector<16xi32>
      %parallel_loop3A_198 = tpu.dynamic_gather %parallel_loop3A_116[%parallel_loop3A_197] in [0] : vector<16xf32>, vector<16xi32> -> vector<16xf32>
      %parallel_loop3A_199 = arith.constant 0 : i32
      %parallel_loop3A_200 = arith.addi %parallel_loop3A_76, %parallel_loop3A_199 : i32
      %parallel_loop3A_201 = arith.index_cast %parallel_loop3A_200 : i32 to index
      %parallel_loop3A_202 = tpu.vector_load %arg6[%parallel_loop3A_201] {strides = array<i32>} : memref<32768xf32, #tpu.memory_space<vmem>>, vector<16xf32>,
      %parallel_loop3A_203 = vector.shape_cast %parallel_loop3A_202 : vector<16xf32> to vector<16xf32>
      %parallel_loop3A_204 = vector.shape_cast %parallel_loop3A_198 : vector<16xf32> to vector<16xf32>
      tpu.vector_store %arg6[%parallel_loop3A_201], %parallel_loop3A_204 {strides = array<i32>} : memref<32768xf32, #tpu.memory_space<vmem>>, vector<16xf32>,
    } {sc.loop_unroll_factor = 2 : i64, sc.parallel_access}
    %add3A_48 = arith.constant 32768 : i32
    %add3A_49 = arith.addi %mul3A_4, %add3A_48 : i32
    %add3A_50 = arith.constant 16384 : i32
    %add3A_51 = arith.addi %add3A_49, %add3A_50 : i32
    %dma_start3A_52 = arith.constant 16384 : i32
    %dma_start3A_53 = tpu.memref_slice %arg6[%dma_start3A_52] : memref<32768xf32, #tpu.memory_space<vmem>> -> memref<16384xf32, #tpu.memory_space<vmem>>
    %dma_start3A_54 = tpu.memref_slice %arg3[%add3A_51] : memref<2097152xf32, #tpu.memory_space<hbm>> -> memref<16384xf32, #tpu.memory_space<hbm>>
    %dma_start3A_55 = tpu.memref_slice %arg3[%add3A_51] : memref<2097152xf32, #tpu.memory_space<hbm>> -> memref<16384xf32, #tpu.memory_space<hbm>>
    %dma_start3A_56 = arith.constant 16384 : i32
    %dma_start3A_57 = tpu.memref_slice %arg6[%dma_start3A_56] : memref<32768xf32, #tpu.memory_space<vmem>> -> memref<16384xf32, #tpu.memory_space<vmem>>
    tpu.enqueue_dma source(%dma_start3A_57 : memref<16384xf32, #tpu.memory_space<vmem>>) target(%dma_start3A_55 : memref<16384xf32, #tpu.memory_space<hbm>>) target_semaphore(%arg13 : memref<!tpu.dma_semaphore, #tpu.memory_space<semaphore_mem>>)
    %dma_wait3A_58 = tpu.memref_slice %arg3[%add3A_27] : memref<2097152xf32, #tpu.memory_space<hbm>> -> memref<32768xf32, #tpu.memory_space<hbm>>
    %dma_wait3A_59 = tpu.memref_slice %arg3[%add3A_27] : memref<2097152xf32, #tpu.memory_space<hbm>> -> memref<32768xf32, #tpu.memory_space<hbm>>
    tpu.wait_dma2 semaphore(%arg10 : memref<!tpu.dma_semaphore, #tpu.memory_space<semaphore_mem>>) src(%arg5 : memref<32768xf32, #tpu.memory_space<vmem>>) dst(%dma_wait3A_59 : memref<32768xf32, #tpu.memory_space<hbm>>)
    %dma_wait3A_60 = arith.constant 0 : i32
    %dma_wait3A_61 = tpu.memref_slice %arg6[%dma_wait3A_60] : memref<32768xf32, #tpu.memory_space<vmem>> -> memref<16384xf32, #tpu.memory_space<vmem>>
    %dma_wait3A_62 = tpu.memref_slice %arg3[%add3A_38] : memref<2097152xf32, #tpu.memory_space<hbm>> -> memref<16384xf32, #tpu.memory_space<hbm>>
    %dma_wait3A_63 = tpu.memref_slice %arg3[%add3A_38] : memref<2097152xf32, #tpu.memory_space<hbm>> -> memref<16384xf32, #tpu.memory_space<hbm>>
    %dma_wait3A_64 = arith.constant 0 : i32
    %dma_wait3A_65 = tpu.memref_slice %arg6[%dma_wait3A_64] : memref<32768xf32, #tpu.memory_space<vmem>> -> memref<16384xf32, #tpu.memory_space<vmem>>
    tpu.wait_dma2 semaphore(%arg12 : memref<!tpu.dma_semaphore, #tpu.memory_space<semaphore_mem>>) src(%dma_wait3A_65 : memref<16384xf32, #tpu.memory_space<vmem>>) dst(%dma_wait3A_63 : memref<16384xf32, #tpu.memory_space<hbm>>)
    %dma_wait3A_66 = arith.constant 16384 : i32
    %dma_wait3A_67 = tpu.memref_slice %arg6[%dma_wait3A_66] : memref<32768xf32, #tpu.memory_space<vmem>> -> memref<16384xf32, #tpu.memory_space<vmem>>
    %dma_wait3A_68 = tpu.memref_slice %arg3[%add3A_51] : memref<2097152xf32, #tpu.memory_space<hbm>> -> memref<16384xf32, #tpu.memory_space<hbm>>
    %dma_wait3A_69 = tpu.memref_slice %arg3[%add3A_51] : memref<2097152xf32, #tpu.memory_space<hbm>> -> memref<16384xf32, #tpu.memory_space<hbm>>
    %dma_wait3A_70 = arith.constant 16384 : i32
    %dma_wait3A_71 = tpu.memref_slice %arg6[%dma_wait3A_70] : memref<32768xf32, #tpu.memory_space<vmem>> -> memref<16384xf32, #tpu.memory_space<vmem>>
    tpu.wait_dma2 semaphore(%arg13 : memref<!tpu.dma_semaphore, #tpu.memory_space<semaphore_mem>>) src(%dma_wait3A_71 : memref<16384xf32, #tpu.memory_space<vmem>>) dst(%dma_wait3A_69 : memref<16384xf32, #tpu.memory_space<hbm>>)
    %dma_wait3A_72 = tpu.memref_slice %arg4[%mul3A_20] : memref<16384xf32, #tpu.memory_space<hbm>> -> memref<512xf32, #tpu.memory_space<hbm>>
    %dma_wait3A_73 = tpu.memref_slice %arg4[%mul3A_20] : memref<16384xf32, #tpu.memory_space<hbm>> -> memref<512xf32, #tpu.memory_space<hbm>>
    tpu.wait_dma2 semaphore(%arg14 : memref<!tpu.dma_semaphore, #tpu.memory_space<semaphore_mem>>) src(%arg7 : memref<512xf32, #tpu.memory_space<vmem>>) dst(%dma_wait3A_73 : memref<512xf32, #tpu.memory_space<hbm>>)
    return
  }
}

</mosaic_0001>

<sc_bundles>
// kernel: _permute_sc.3.cloned.1.call-start
scs
__scs_entry_jumppad:
0x0: {  	(pc) =	sbr.rel $0x88, $3  }
0x1: {  	(tag) =	ssettag $0x0;
	lr =	simm.s32 $0x1  }
0x2: {  	[smem:$0x3FA0] =	sst lr;
	_ =	strace $0xD0000000  }
0x3: {  	_ = 	snop  }
0x4: {  	_ = 	snop  }
0x5: {  	_ = 	snop  }
0x6: {  	_ = 	snop  }
0x7: {  	_ = 	snop  }
__scs_overlays_trampoline_lowered:
0x8: {  	[smem:$0x3FAF] =	sst s0  }
0x9: {  	[smem:$0x3FB0] =	sst s1  }
0xa: {  	[smem:$0x3FB1] =	sst s2  }
0xb: {  	[smem:$0x3FB2] =	sst s3  }
0xc: {  	[smem:$0x3FB3] =	sst s4  }
0xd: {  	[smem:$0x3FB4] =	sst s5  }
0xe: {  	[smem:$0x3FB5] =	sst s6  }
0xf: {  	[smem:$0x3FB6] =	sst s7  }
0x10: {  	[smem:$0x3FB7] =	sst s8  }
0x11: {  	[smem:$0x3FB8] =	sst s9;
	s0 =	simm.s32 @!p0 $0x0  }
0x12: {  	s1 =	sld [smem:$0x3F9E];
	s0 =	simm.s32 @p0 $0x1  }
0x13: {  	[smem:$0x3FB9] =	sst s0;
	s0 =	simm.s32 @!p1 $0x0  }
0x14: {  	s2 =	sld [smem:$0x3F9D];
	s0 =	simm.s32 @p1 $0x1  }
0x15: {  	[smem:$0x3FBA] =	sst s0;
	s0 =	simm.s32 @!p2 $0x0  }
0x16: {  	s3 =	sld [smem:$0x3FDB];
	s0 =	simm.s32 @p2 $0x1  }
0x17: {  	s4 =	simm.s32 $0x1BF5;
	[smem:$0x3FBC] =	sst s0  }
0x18: {  	s0 =	sld [smem:$0x3F9F];
	_ =	swait.ge [sflag:s4], $0x0  }
0x19: {  	s7 =	sld [smem:$0x3FA0]  }
0x1a: {  	s8 =	sadd.s32 $0xFFFFE003, lr  }
0x1b: {  	s9 =	sadd.s32 $0xFFFFFEF7, lr;
	s5 =	simm.s32 $0xFFFFFFFF;
	p2 =	slt.u32 s8, $0xFFFFF086  }
0x1c: {  	p1 =	slt.u32 s9, $0xF7A;
	s5 =	simm.s32 @!p2 $0x0  }
0x1d: {  	s5 =	simm.s32 @p1 $0x1;
	p0 =	seq.s32 s7, s2  }
0x1e: {  	s7 =	smul.u32 @!p0 $0xF7A, s2;
	p2 =	seq.s32 @!p0 s5, $0x0  }
0x1f: {  	s9 =	smul.u32 $0xF7A, s1;
	s8 =	simm.s32 @!p0 $0x1BF5;
	p2 =	por !p2, p0  }
0x20: {  	[sflag:s8] =	ssyncset.s32 @!p0 $0xFFFFF086;
	s6 =	sadd.s32 @!p0 s3, s7;
	s7 =	simm.s32 @!p0 $0x108  }
0x21: {  	s3 =	sadd.s32 s3, s9;
	s6 =	sadd.s32 @!p0 $0x88, s6;
	s7 =	simm.s32 @p2 $0x1082  }
0x22: {  	[simem:s7], [sflag:s8] =	dma.local @!p0 [hbm:s6], $0xF7A  }
0x23: {  	s9 =	sor.u32 $0xD0000000, s2;
	s6 =	simm.s32 $0x108;
	_ =	swait.ge @!p0 [sflag:s8], $0x0  }
0x24: {  	s3 =	sadd.s32 $0x88, s3;
	s6 =	simm.s32 @!p1 $0x1082;
	[sflag:s4] =	ssyncset.s32 $0xFFFFF086  }
0x25: {  	[simem:s6], [sflag:s4] =	dma.local [hbm:s3], $0xF7A  }
0x26: {  	[smem:$0x3FA0] =	sst s1;
	(tag) =	ssettag s2;
	_ =	strace s9  }
0x27: {  	s1 =	sld [smem:$0x3FB0]  }
0x28: {  	s2 =	sld [smem:$0x3FB1]  }
0x29: {  	s4 =	sld [smem:$0x3FB3]  }
0x2a: {  	p0 =	seq.s32 s5, $0x0;
	s5 =	sld [smem:$0x3FB4]  }
0x2b: {  	s6 =	sld [smem:$0x3FB5]  }
0x2c: {  	s7 =	sld [smem:$0x3FB6]  }
0x2d: {  	s3 =	simm.s32 $0x108;
	s8 =	sld [smem:$0x3FB7]  }
0x2e: {  	s3 =	simm.s32 @!p0 $0x1082;
	s9 =	sld [smem:$0x3FB8]  }
0x2f: {  	lr =	sadd.s32 s0, s3;
	s0 =	sld [smem:$0x3FAF]  }
0x30: {  	s3 =	sld [smem:$0x3FB2]  }
0x31: {  	[smem:$0x3FBB] =	sst s10  }
0x32: {  	s10 =	sld [smem:$0x3FB9];
	_ =	sdelay $0x3  }
0x33: {  	p0 =	seq.s32 s10, $0x1;
	s10 =	sld [smem:$0x3FBB];
	_ =	sdelay $0x3  }
0x34: {  	[smem:$0x3FBB] =	sst s10  }
0x35: {  	s10 =	sld [smem:$0x3FBA];
	_ =	sdelay $0x3  }
0x36: {  	p1 =	seq.s32 s10, $0x1;
	s10 =	sld [smem:$0x3FBB];
	_ =	sdelay $0x3  }
0x37: {  	[smem:$0x3FBB] =	sst s10  }
0x38: {  	s10 =	sld [smem:$0x3FBC]  }
0x39: {  	_ = 	snop;
	(pc) =	sbr.ind lr, $3  }
0x3a: {  	_ = 	snop  }
0x3b: {  	_ = 	snop  }
0x3c: {  	p2 =	seq.s32 s10, $0x1;
	s10 =	sld [smem:$0x3FBB]  }
0x3d: {  	_ =	shalt  }
0x3e: {  	_ =	shalt  }
0x3f: {  	_ =	shalt  }
0x40: {  	_ =	shalt  }
0x41: {  	_ =	shalt  }
0x42: {  	_ =	shalt  }
0x43: {  	_ =	shalt  }
0x44: {  	_ =	shalt  }
0x45: {  	_ =	shalt  }
0x46: {  	_ =	shalt  }
0x47: {  	_ =	shalt  }
0x48: {  	_ =	shalt  }
0x49: {  	_ =	shalt  }
0x4a: {  	_ =	shalt  }
0x4b: {  	_ =	shalt  }
0x4c: {  	_ =	shalt  }
0x4d: {  	_ =	shalt  }
0x4e: {  	_ =	shalt  }
0x4f: {  	_ =	shalt  }
0x50: {  	_ =	shalt  }
0x51: {  	_ =	shalt  }
0x52: {  	_ =	shalt  }
0x53: {  	_ =	shalt  }
0x54: {  	_ =	shalt  }
0x55: {  	_ =	shalt  }
0x56: {  	_ =	shalt  }
0x57: {  	_ =	shalt  }
0x58: {  	_ =	shalt  }
0x59: {  	_ =	shalt  }
0x5a: {  	_ =	shalt  }
0x5b: {  	_ =	shalt  }
0x5c: {  	_ =	shalt  }
0x5d: {  	_ =	shalt  }
0x5e: {  	_ =	shalt  }
0x5f: {  	_ =	shalt  }
0x60: {  	_ =	shalt  }
0x61: {  	_ =	shalt  }
0x62: {  	_ =	shalt  }
0x63: {  	_ =	shalt  }
0x64: {  	_ =	shalt  }
0x65: {  	_ =	shalt  }
0x66: {  	_ =	shalt  }
0x67: {  	_ =	shalt  }
0x68: {  	_ =	shalt  }
0x69: {  	_ =	shalt  }
0x6a: {  	_ =	shalt  }
0x6b: {  	_ =	shalt  }
0x6c: {  	_ =	shalt  }
0x6d: {  	_ =	shalt  }
0x6e: {  	_ =	shalt  }
0x6f: {  	_ =	shalt  }
0x70: {  	_ =	shalt  }
0x71: {  	_ =	shalt  }
0x72: {  	_ =	shalt  }
0x73: {  	_ =	shalt  }
0x74: {  	_ =	shalt  }
0x75: {  	_ =	shalt  }
0x76: {  	_ =	shalt  }
0x77: {  	_ =	shalt  }
0x78: {  	_ =	shalt  }
0x79: {  	_ =	shalt  }
0x7a: {  	_ =	shalt  }
0x7b: {  	_ =	shalt  }
0x7c: {  	_ =	shalt  }
0x7d: {  	_ =	shalt  }
0x7e: {  	_ =	shalt  }
0x7f: {  	_ =	shalt  }
0x80: {  	_ =	shalt  }
0x81: {  	_ =	shalt  }
0x82: {  	_ =	shalt  }
0x83: {  	_ =	shalt  }
0x84: {  	_ =	shalt  }
0x85: {  	_ =	shalt  }
0x86: {  	_ =	shalt  }
0x87: {  	_ =	shalt  }
.Lfunc_end0:
.L_simem_size_0:
called_computation_lowered:
.L_overlay_start_0:
0x88: {  	s2 =	sld [smem:$0x3FD9]  }
0x89: {  	s3 =	sld [smem:$0x3FFE];
	_ =	sdelay $0x1  }
0x8a: {  	s1 =	srdreg.scid  }
0x8b: {  	s0 =	sand.u32 $0x1, s1  }
0x8c: {  	s15 =	sshll.u32 s0, $0xA;
	s2 =	sadd.s32 s3, s2  }
0x8d: {  	s2 =	sadd.s32 s2, s15  }
0x8e: {  	[smem:$0x3FC7] =	sst s2  }
0x8f: {  	_ = 	snop  }
0x90: {  	s2 =	sld [smem:$0x3FD0];
	_ =	sdelay $0x2  }
0x91: {  	s4 =	simm.s32 $0xA;
	s5 =	simm.s32 $0x10;
	s16 =	sld [smem:$0x3FC9]  }
0x92: {  	[smem:s5], [sflag:s4] =	dma.local [hbm:s2], $0x1  }
0x93: {  	_ =	swait.eq [sflag:s4], $0x1  }
0x94: {  	[sflag:s4] =	ssyncset.done $0x0  }
0x95: {  	s17 =	sld [smem:$0x10];
	[sflag:s4] =	ssyncadd.s32 $0xFFFFFFFF  }
0x96: {  	s18 =	sld [smem:$0x11];
	(tm) =	ssettm $0x1  }
0x97: {  	s19 =	sld [smem:$0x3FFB];
	_ =	sdelay $0x3  }
0x98: {  	_ =	strace s19  }
0x99: {  	s5 =	sld [smem:$0x3FFC];
	_ =	sdelay $0x3  }
0x9a: {  	_ =	strace s5  }
0x9b: {  	s5 =	sld [smem:$0x3FFD];
	_ =	sdelay $0x3  }
0x9c: {  	_ =	strace s5  }
0x9d: {  	_ =	strace $0x8FFFFFFF  }
0x9e: {  	s20 =	sld [smem:$0x3FDB];
	_ =	sdelay $0x1  }
0x9f: {  	s6 =	simm.s32 $_scs_section_size  }
0xa0: {  	s7 =	simm.s32 $_size__tile_overlayer_lowered;
	s8 =	simm.s32 $_tile_overlayer_lowered  }
0xa1: {  	s23 =	simm.s32 $0x1BFF;
	s22 =	sshll.u32 s8, $0x1;
	s5 =	sadd.s32 s6, s20  }
0xa2: {  	s9 =	simm.s32 $0x0;
	s21 =	sshll.u32 s7, $0x1;
	s7 =	sadd.s32 s22, s5  }
0xa3: {  	[timem:s9], [sflag:s23] =	dma.local [hbm:s7], s21  }
0xa4: {  	_ =	swait.ge [sflag:s23], s21  }
0xa5: {  	s6 =	ssub.s32 $0x0, s21;
	[sflag:s23] =	ssyncset.done $0x0  }
0xa6: {  	[sflag:s23] =	ssyncadd.s32 s6;
	_ =	sdelay $0x1  }
0xa7: {  	s24 =	simm.s32 $0x1B8B  }
0xa8: {  	_ =	swait.ge [sflag:s24], $0x1  }
0xa9: {  	[sflag:s24] =	ssyncset.done $0x0  }
0xaa: {  	s25 =	simm.s32 $0x1B8E;
	[sflag:s24] =	ssyncadd.s32 $0xFFFFFFFF  }
0xab: {  	s26 =	simm.s32 $execute0_lowered;
	[smem:$0x3FD2] =	sst s25  }
0xac: {  	s6 =	sshll.u32 s26, $0x1;
	_ =	strace $0x80000046;
	[dreg:$0x1] =	wrdreg $0xFFFFFFFF  }
0xad: {  	s28 =	simm.s32 $_size_execute0_lowered;
	s5 =	sadd.s32 s5, s6;
	[dreg:$0x0] =	wrdreg $0x0  }
0xae: {  	s6 =	sshll.u32 s28, $0x1;
	[dreg:$0x2] =	wrdreg s5  }
0xaf: {  	[dreg:$0x3] =	wrdreg s6  }
0xb0: {  	[dreg:$0x4] =	wrdreg $0xC0  }
0xb1: {  	_ =	task [dreg:s9], $0x5FFFF  }
0xb2: {  	[dreg:$0x1] =	wrdreg $0xFFFFFFFF  }
0xb3: {  	[dreg:$0x0] =	wrdreg $0x60  }
0xb4: {  	[dreg:$0x2] =	wrdreg s16  }
0xb5: {  	[dreg:$0x3] =	wrdreg s17  }
0xb6: {  	[dreg:$0x4] =	wrdreg s18  }
0xb7: {  	[dreg:$0x5] =	wrdreg $0x9  }
0xb8: {  	_ =	task.clear_ibuf [dreg:s9], $0x6FFFF;
	_ =	strace $0x90000046  }
0xb9: {  	s29 =	simm.s32 $0x9;
	_ =	strace $0x80000048  }
0xba: {  	_ =	swait.ge [sflag:s29], $0x1  }
0xbb: {  	[sflag:s29] =	ssyncadd.s32 $0xFFFFFFFF  }
0xbc: {  	_ =	strace $0x90000048  }
0xbd: {  	_ =	sfence  }
0xbe: {  	s30 =	sld [smem:$0x0];
	_ =	sdelay $0x2  }
0xbf: {  	s31 =	sshll.u32 s1, $0xD;
	s1 =	sshrl.u32 s1, $0x2  }
0xc0: {  	s3 =	sand.u32 $0x4000, s31;
	s1 =	sadd.s32 s1, s30  }
0xc1: {  	s0 =	sor.u32 s3, s0;
	s1 =	sshll.u32 s1, $0x11  }
0xc2: {  	s0 =	sor.u32 s1, s0  }
0xc3: {  	s0 =	sadd.s32 $0x8F2B, s0  }
0xc4: {  	[sflag:s0] =	ssyncadd.remote.s32 $0x1  }
0xc5: {  	_ =	sfence.sel $0xFFFF  }
0xc6: {  	[dreg:$0x0] =	wrdreg $0xFFFFFFFF;
	(pc) =	sbr.abs _section_cstart, $3  }
0xc7: {  	[dreg:$0x1] =	wrdreg $0xFFFFFFFF  }
0xc8: {  	_ =	task.clear_ibuf [dreg:s9], $0x2FFFF;
	_ =	strace $0x9FFFFFFF  }
0xc9: {  	(tm) =	ssettm $0x7FFFFFFF  }
tec
execute0_lowered:
.L_overlay_start_1:
0x0: {  	(tag) =	ssettag $0x1  }
0x1: {  	s4 =	rddreg [dreg:$0x0]  }
0x2: {  	s7 =	rddreg [dreg:$0x1]  }
0x3: {  	s5 =	rddreg [dreg:$0x2]  }
0x4: {  	s2 =	srdreg.scid;
	s1 =	stileid.u32  }
0x5: {  	s0 =	rddreg [dreg:$0x3];
	s11 =	simm.s32 $0x10000;
	s12 =	simm.s32 $0x1  }
0x6: {  	s13 =	simm.s32 $0x2;
	s14 =	simm.s32 $0xC000;
	s15 =	simm.s32 $0x3  }
0x7: {  	s16 =	simm.s32 $0x4;
	s17 =	simm.s32 $0x5;
	s18 =	simm.s32 $0x6  }
0x8: {  	s19 =	simm.s32 $0x0;
	s3 =	sand.u32 $0x1, s2;
	s6 =	sshll.u32 s1, $0x1  }
0x9: {  	s2 =	simm.s32 $0x0;
	s8 =	ssub.s32 $0x2, s3;
	s6 =	sor.u32 s3, s6  }
0xa: {  	[smem:$0x7FF] =	sst s2;
	s30 =	sshrl.u32 s8, $0x1;
	s9 =	sshll.u32 s6, $0xD  }
0xb: {  	v0 =	vlaneseq.u32;
	_ =	strace $0x80000047;
	s6 =	sshll.u32 s6, $0x6;
	s10 =	ssub.s32 s8, s30  }
0xc: {  	v1 =	vmul.u32 $0xFFFFFFFF, v0;
	s31 =	sor.u32 $0x1000, s9;
	s3 =	sadd.s32 s4, s9;
	s5 =	sadd.s32 s5, s6  }
0xd: {  	s6 =	sadd.s32 s7, s9;
	s4 =	sadd.s32 s4, s31;
	s7 =	sadd.s32 s7, s31  }
0xe: {  	v0 =	vimm.f32 $0.0e+00;
	v1 =	vadd.s32 $0xF, v1;
	s8 =	sadd.s32 $0x1800, s6;
	s9 =	smax.u32 s10, $0x1;
	s10 =	simm.s32 $0x8000  }
.LBB2_1:
0xf: {  	[tilespmem:s2], [sflag:$0x1] =	stream.linear.gather [hbm4b:s3+s2], $0x8000, $0x38;
	[tilespmem:$0x10200] =	vst v63  }
0x10: {  	_ = 	snop  }
0x11: {  	[tilespmem:s10], [sflag:$0x2] =	stream.linear.gather [hbm4b:s4+s2], $0x8000, $0x38;
	[tilespmem:$0x10200] =	vst v63  }
0x12: {  	[tilespmem:$0x10000] =	vst v0  }
0x13: {  	[tilespmem:$0x10010] =	vst v0  }
0x14: {  	[tilespmem:$0x10020] =	vst v0  }
0x15: {  	[tilespmem:$0x10030] =	vst v0  }
0x16: {  	[tilespmem:$0x10040] =	vst v0  }
0x17: {  	[tilespmem:$0x10050] =	vst v0  }
0x18: {  	[tilespmem:$0x10060] =	vst v0  }
0x19: {  	[tilespmem:$0x10070] =	vst v0  }
0x1a: {  	[tilespmem:$0x10080] =	vst v0  }
0x1b: {  	[tilespmem:$0x10090] =	vst v0  }
0x1c: {  	[tilespmem:$0x100A0] =	vst v0  }
0x1d: {  	[tilespmem:$0x100B0] =	vst v0  }
0x1e: {  	[tilespmem:$0x100C0] =	vst v0  }
0x1f: {  	[tilespmem:$0x100D0] =	vst v0  }
0x20: {  	[tilespmem:$0x100E0] =	vst v0  }
0x21: {  	[tilespmem:$0x100F0] =	vst v0  }
0x22: {  	[tilespmem:$0x10100] =	vst v0  }
0x23: {  	[tilespmem:$0x10110] =	vst v0  }
0x24: {  	[tilespmem:$0x10120] =	vst v0  }
0x25: {  	[tilespmem:$0x10130] =	vst v0  }
0x26: {  	[tilespmem:$0x10140] =	vst v0  }
0x27: {  	[tilespmem:$0x10150] =	vst v0  }
0x28: {  	[tilespmem:$0x10160] =	vst v0  }
0x29: {  	[tilespmem:$0x10170] =	vst v0  }
0x2a: {  	[tilespmem:$0x10180] =	vst v0  }
0x2b: {  	[tilespmem:$0x10190] =	vst v0  }
0x2c: {  	[tilespmem:$0x101A0] =	vst v0  }
0x2d: {  	[tilespmem:$0x101B0] =	vst v0  }
0x2e: {  	[tilespmem:$0x101C0] =	vst v0  }
0x2f: {  	[tilespmem:$0x101D0] =	vst v0  }
0x30: {  	[tilespmem:$0x101E0] =	vst v0  }
0x31: {  	[tilespmem:$0x101F0] =	vst v0  }
0x32: {  	[hbm4b:s5+s2] =	stream.linear.scatter [tilespmem:s11], [sflag:$0x6], $0x200, $0x38;
	[tilespmem:$0x10200] =	vst v63  }
0x33: {  	_ =	swait.ge [sflag:s12], $0x8000  }
0x34: {  	[sflag:s12] =	ssyncset.done $0x0  }
0x35: {  	s20 =	simm.s32 $0x80;
	[sflag:s12] =	ssyncadd.s32 $0xFFFF8000  }
0x36: {  	v2 =	vld [tilespmem:s20+$0x70]  }
0x37: {  	v3 =	vld [tilespmem:s20+$0xFFFFFF90]  }
0x38: {  	v4 =	vld [tilespmem:s20+$0xFFFFFFA0]  }
0x39: {  	v5 =	vld [tilespmem:s20+$0xFFFFFFB0]  }
0x3a: {  	v6 =	vld [tilespmem:s20+$0xFFFFFFC0]  }
0x3b: {  	v7 =	vld [tilespmem:s20+$0xFFFFFFD0];
	v2 =	vperm.xlane v2, v1  }
0x3c: {  	v9 =	vld [tilespmem:s20+$0x0];
	v3 =	vperm.xlane v3, v1  }
0x3d: {  	v8 =	vld [tilespmem:s20+$0xFFFFFFE0];
	v4 =	vperm.xlane v4, v1;
	[tilespmem:s20+$0x0] =	vst v2  }
0x3e: {  	v10 =	vld [tilespmem:s20+$0xFFFFFFF0];
	[tilespmem:s20+$0xFFFFFFE0] =	vst v3;
	v2 =	vperm.xlane v5, v1  }
0x3f: {  	v11 =	vld [tilespmem:s20+$0x10];
	[tilespmem:s20+$0xFFFFFFD0] =	vst v4;
	v4 =	vperm.xlane v6, v1  }
0x40: {  	v12 =	vld [tilespmem:s20+$0x20];
	v5 =	vperm.xlane v7, v1;
	[tilespmem:s20+$0xFFFFFFC0] =	vst v2  }
0x41: {  	v3 =	vld [tilespmem:s20+$0x30];
	v6 =	vperm.xlane v9, v1;
	[tilespmem:s20+$0xFFFFFFB0] =	vst v4  }
0x42: {  	v4 =	vperm.xlane v8, v1;
	v2 =	vld [tilespmem:s20+$0x40];
	[tilespmem:s20+$0xFFFFFFA0] =	vst v5  }
0x43: {  	v7 =	vperm.xlane v10, v1;
	v5 =	vld [tilespmem:s20+$0x50];
	[tilespmem:s20+$0x70] =	vst v6  }
0x44: {  	v8 =	vperm.xlane v11, v1;
	[tilespmem:s20+$0xFFFFFF90] =	vst v4;
	v4 =	vld [tilespmem:s20+$0x60]  }
0x45: {  	s21 =	simm.s32 $0x0;
	s22 =	simm.s32 $0x180;
	v6 =	vld [tilespmem:s20+$0xFFFFFF80];
	[tilespmem:s20+$0xFFFFFF80] =	vst v7;
	v7 =	vperm.xlane v12, v1  }
.LBB2_2:
0x46: {  	v9 =	vld [tilespmem:s22+$0x70];
	s21 =	sadd.s32 $0x2, s21;
	[tilespmem:s20+$0x60] =	vst v8;
	v3 =	vperm.xlane v3, v1  }
0x47: {  	v8 =	vld [tilespmem:s22+$0xFFFFFF90];
	p0 =	slt.u32 s21, $0xFE;
	[tilespmem:s20+$0x50] =	vst v7;
	v2 =	vperm.xlane v2, v1  }
0x48: {  	v7 =	vld [tilespmem:s22+$0xFFFFFFA0];
	[tilespmem:s20+$0x40] =	vst v3;
	v3 =	vperm.xlane v5, v1  }
0x49: {  	v5 =	vld [tilespmem:s22+$0xFFFFFFB0];
	[tilespmem:s20+$0x30] =	vst v2;
	v2 =	vperm.xlane v4, v1  }
0x4a: {  	v4 =	vld [tilespmem:s22+$0xFFFFFFC0];
	v6 =	vperm.xlane v6, v1;
	[tilespmem:s20+$0x20] =	vst v3  }
0x4b: {  	v3 =	vld [tilespmem:s22+$0xFFFFFFD0];
	v9 =	vperm.xlane v9, v1;
	[tilespmem:s20+$0x10] =	vst v2  }
0x4c: {  	v2 =	vld [tilespmem:s22+$0xFFFFFFE0];
	v8 =	vperm.xlane v8, v1;
	[tilespmem:s20+$0xFFFFFFF0] =	vst v6;
	s20 =	smov.u32 s22  }
0x4d: {  	v6 =	vperm.xlane v7, v1;
	v7 =	vld [tilespmem:s22+$0x0];
	[tilespmem:s22+$0x0] =	vst v9  }
0x4e: {  	v9 =	vld [tilespmem:s22+$0xFFFFFFF0];
	[tilespmem:s22+$0xFFFFFFE0] =	vst v8;
	v5 =	vperm.xlane v5, v1  }
0x4f: {  	[tilespmem:s22+$0xFFFFFFD0] =	vst v6;
	v4 =	vperm.xlane v4, v1;
	v6 =	vld [tilespmem:s22+$0x10]  }
0x50: {  	[tilespmem:s22+$0xFFFFFFC0] =	vst v5;
	v5 =	vperm.xlane v3, v1;
	v10 =	vld [tilespmem:s22+$0x20]  }
.Ltmp0:
0x51: {  	[tilespmem:s22+$0xFFFFFFB0] =	vst v4;
	v4 =	vperm.xlane v2, v1;
	v3 =	vld [tilespmem:s22+$0x30];
	(pc) =	sbr.rel @p0 .LBB2_2-.Ltmp0, $4  }
0x52: {  	[tilespmem:s22+$0xFFFFFFA0] =	vst v5;
	v2 =	vld [tilespmem:s22+$0x40];
	v7 =	vperm.xlane v7, v1  }
0x53: {  	[tilespmem:s22+$0xFFFFFF90] =	vst v4;
	v9 =	vperm.xlane v9, v1;
	v5 =	vld [tilespmem:s22+$0x50]  }
0x54: {  	v4 =	vld [tilespmem:s22+$0x60];
	[tilespmem:s22+$0x70] =	vst v7;
	v8 =	vperm.xlane v6, v1  }
0x55: {  	s22 =	sadd.s32 $0x100, s22;
	v6 =	vld [tilespmem:s20+$0xFFFFFF80];
	[tilespmem:s20+$0xFFFFFF80] =	vst v9;
	v7 =	vperm.xlane v10, v1  }
0x56: {  	[tilespmem:s20+$0x60] =	vst v8;
	v3 =	vperm.xlane v3, v1  }
0x57: {  	[tilespmem:s20+$0x50] =	vst v7;
	v2 =	vperm.xlane v2, v1  }
0x58: {  	[tilespmem:s20+$0x40] =	vst v3;
	v3 =	vperm.xlane v5, v1  }
0x59: {  	[tilespmem:s20+$0x30] =	vst v2;
	v2 =	vperm.xlane v4, v1  }
0x5a: {  	v4 =	vperm.xlane v6, v1;
	[tilespmem:s20+$0x20] =	vst v3  }
0x5b: {  	[tilespmem:s20+$0x10] =	vst v2  }
0x5c: {  	[tilespmem:s20+$0xFFFFFFF0] =	vst v4  }
0x5d: {  	[hbm4b:s6+s2] =	stream.linear.scatter [tilespmem:s2], [sflag:$0x3], $0x8000, $0x38;
	[tilespmem:$0x10200] =	vst v63  }
0x5e: {  	_ =	swait.ge [sflag:s13], $0x8000  }
0x5f: {  	[sflag:s13] =	ssyncset.done $0x0  }
0x60: {  	s20 =	simm.s32 $0x8080;
	[sflag:s13] =	ssyncadd.s32 $0xFFFF8000  }
0x61: {  	v2 =	vld [tilespmem:s20+$0x70]  }
0x62: {  	v3 =	vld [tilespmem:s20+$0xFFFFFF90]  }
0x63: {  	v4 =	vld [tilespmem:s20+$0xFFFFFFA0]  }
0x64: {  	v5 =	vld [tilespmem:s20+$0xFFFFFFB0]  }
0x65: {  	v6 =	vld [tilespmem:s20+$0xFFFFFFC0]  }
0x66: {  	v7 =	vld [tilespmem:s20+$0xFFFFFFD0];
	v2 =	vperm.xlane v2, v1  }
0x67: {  	v9 =	vld [tilespmem:s20+$0x0];
	v3 =	vperm.xlane v3, v1  }
0x68: {  	v8 =	vld [tilespmem:s20+$0xFFFFFFE0];
	v4 =	vperm.xlane v4, v1;
	[tilespmem:s20+$0x0] =	vst v2  }
0x69: {  	v10 =	vld [tilespmem:s20+$0xFFFFFFF0];
	[tilespmem:s20+$0xFFFFFFE0] =	vst v3;
	v2 =	vperm.xlane v5, v1  }
0x6a: {  	v11 =	vld [tilespmem:s20+$0x10];
	[tilespmem:s20+$0xFFFFFFD0] =	vst v4;
	v4 =	vperm.xlane v6, v1  }
0x6b: {  	v12 =	vld [tilespmem:s20+$0x20];
	v5 =	vperm.xlane v7, v1;
	[tilespmem:s20+$0xFFFFFFC0] =	vst v2  }
0x6c: {  	v3 =	vld [tilespmem:s20+$0x30];
	v6 =	vperm.xlane v9, v1;
	[tilespmem:s20+$0xFFFFFFB0] =	vst v4  }
0x6d: {  	v4 =	vperm.xlane v8, v1;
	v2 =	vld [tilespmem:s20+$0x40];
	[tilespmem:s20+$0xFFFFFFA0] =	vst v5  }
0x6e: {  	v7 =	vperm.xlane v10, v1;
	v5 =	vld [tilespmem:s20+$0x50];
	[tilespmem:s20+$0x70] =	vst v6  }
0x6f: {  	v8 =	vperm.xlane v11, v1;
	[tilespmem:s20+$0xFFFFFF90] =	vst v4;
	v4 =	vld [tilespmem:s20+$0x60]  }
0x70: {  	s21 =	simm.s32 $0x0;
	s22 =	simm.s32 $0x8180;
	v6 =	vld [tilespmem:s20+$0xFFFFFF80];
	[tilespmem:s20+$0xFFFFFF80] =	vst v7;
	v7 =	vperm.xlane v12, v1  }
.LBB2_4:
0x71: {  	v9 =	vld [tilespmem:s22+$0x70];
	s21 =	sadd.s32 $0x2, s21;
	[tilespmem:s20+$0x60] =	vst v8;
	v3 =	vperm.xlane v3, v1  }
0x72: {  	v8 =	vld [tilespmem:s22+$0xFFFFFF90];
	p0 =	slt.u32 s21, $0x7E;
	[tilespmem:s20+$0x50] =	vst v7;
	v2 =	vperm.xlane v2, v1  }
0x73: {  	v7 =	vld [tilespmem:s22+$0xFFFFFFA0];
	[tilespmem:s20+$0x40] =	vst v3;
	v3 =	vperm.xlane v5, v1  }
0x74: {  	v5 =	vld [tilespmem:s22+$0xFFFFFFB0];
	[tilespmem:s20+$0x30] =	vst v2;
	v2 =	vperm.xlane v4, v1  }
0x75: {  	v4 =	vld [tilespmem:s22+$0xFFFFFFC0];
	v6 =	vperm.xlane v6, v1;
	[tilespmem:s20+$0x20] =	vst v3  }
0x76: {  	v3 =	vld [tilespmem:s22+$0xFFFFFFD0];
	v9 =	vperm.xlane v9, v1;
	[tilespmem:s20+$0x10] =	vst v2  }
0x77: {  	v2 =	vld [tilespmem:s22+$0xFFFFFFE0];
	v8 =	vperm.xlane v8, v1;
	[tilespmem:s20+$0xFFFFFFF0] =	vst v6;
	s20 =	smov.u32 s22  }
0x78: {  	v6 =	vperm.xlane v7, v1;
	v7 =	vld [tilespmem:s22+$0x0];
	[tilespmem:s22+$0x0] =	vst v9  }
0x79: {  	v9 =	vld [tilespmem:s22+$0xFFFFFFF0];
	[tilespmem:s22+$0xFFFFFFE0] =	vst v8;
	v5 =	vperm.xlane v5, v1  }
0x7a: {  	[tilespmem:s22+$0xFFFFFFD0] =	vst v6;
	v4 =	vperm.xlane v4, v1;
	v6 =	vld [tilespmem:s22+$0x10]  }
0x7b: {  	[tilespmem:s22+$0xFFFFFFC0] =	vst v5;
	v5 =	vperm.xlane v3, v1;
	v10 =	vld [tilespmem:s22+$0x20]  }
.Ltmp1:
0x7c: {  	[tilespmem:s22+$0xFFFFFFB0] =	vst v4;
	v4 =	vperm.xlane v2, v1;
	v3 =	vld [tilespmem:s22+$0x30];
	(pc) =	sbr.rel @p0 .LBB2_4-.Ltmp1, $4  }
0x7d: {  	[tilespmem:s22+$0xFFFFFFA0] =	vst v5;
	v2 =	vld [tilespmem:s22+$0x40];
	v7 =	vperm.xlane v7, v1  }
0x7e: {  	[tilespmem:s22+$0xFFFFFF90] =	vst v4;
	v9 =	vperm.xlane v9, v1;
	v5 =	vld [tilespmem:s22+$0x50]  }
0x7f: {  	v4 =	vld [tilespmem:s22+$0x60];
	[tilespmem:s22+$0x70] =	vst v7;
	v8 =	vperm.xlane v6, v1  }
0x80: {  	s22 =	sadd.s32 $0x100, s22;
	v6 =	vld [tilespmem:s20+$0xFFFFFF80];
	[tilespmem:s20+$0xFFFFFF80] =	vst v9;
	v7 =	vperm.xlane v10, v1  }
0x81: {  	[tilespmem:s20+$0x60] =	vst v8;
	v3 =	vperm.xlane v3, v1  }
0x82: {  	[tilespmem:s20+$0x50] =	vst v7;
	v2 =	vperm.xlane v2, v1  }
0x83: {  	[tilespmem:s20+$0x40] =	vst v3;
	v3 =	vperm.xlane v5, v1  }
0x84: {  	[tilespmem:s20+$0x30] =	vst v2;
	v2 =	vperm.xlane v4, v1  }
0x85: {  	v4 =	vperm.xlane v6, v1;
	[tilespmem:s20+$0x20] =	vst v3  }
0x86: {  	[tilespmem:s20+$0x10] =	vst v2  }
0x87: {  	[tilespmem:s20+$0xFFFFFFF0] =	vst v4;
	s20 =	simm.s32 $0xC0F0  }
0x88: {  	[hbm4b:s7+s2] =	stream.linear.scatter [tilespmem:s10], [sflag:$0x4], $0x4000, $0x38;
	[tilespmem:$0x10200] =	vst v63  }
0x89: {  	v2 =	vld [tilespmem:s20+$0x0]  }
0x8a: {  	v3 =	vld [tilespmem:s20+$0xFFFFFF20]  }
0x8b: {  	v4 =	vld [tilespmem:s20+$0xFFFFFF30]  }
0x8c: {  	v5 =	vld [tilespmem:s20+$0xFFFFFF40]  }
0x8d: {  	v6 =	vld [tilespmem:s20+$0xFFFFFF50]  }
0x8e: {  	v7 =	vld [tilespmem:s20+$0xFFFFFF60];
	v2 =	vperm.xlane v2, v1  }
0x8f: {  	v9 =	vld [tilespmem:s20+$0xFFFFFF90];
	v3 =	vperm.xlane v3, v1  }
0x90: {  	v8 =	vld [tilespmem:s20+$0xFFFFFF70];
	v4 =	vperm.xlane v4, v1;
	[tilespmem:s20+$0xFFFFFF90] =	vst v2  }
0x91: {  	v10 =	vld [tilespmem:s20+$0xFFFFFF80];
	[tilespmem:s20+$0xFFFFFF70] =	vst v3;
	v2 =	vperm.xlane v5, v1  }
0x92: {  	v11 =	vld [tilespmem:s20+$0xFFFFFFA0];
	[tilespmem:s20+$0xFFFFFF60] =	vst v4;
	v4 =	vperm.xlane v6, v1  }
0x93: {  	v12 =	vld [tilespmem:s20+$0xFFFFFFB0];
	v5 =	vperm.xlane v7, v1;
	[tilespmem:s20+$0xFFFFFF50] =	vst v2  }
0x94: {  	v3 =	vld [tilespmem:s20+$0xFFFFFFC0];
	v6 =	vperm.xlane v9, v1;
	[tilespmem:s20+$0xFFFFFF40] =	vst v4  }
0x95: {  	v4 =	vperm.xlane v8, v1;
	v2 =	vld [tilespmem:s20+$0xFFFFFFD0];
	[tilespmem:s20+$0xFFFFFF30] =	vst v5  }
0x96: {  	v7 =	vperm.xlane v10, v1;
	v5 =	vld [tilespmem:s20+$0xFFFFFFE0];
	[tilespmem:s20+$0x0] =	vst v6  }
0x97: {  	v8 =	vperm.xlane v11, v1;
	[tilespmem:s20+$0xFFFFFF20] =	vst v4;
	v4 =	vld [tilespmem:s20+$0xFFFFFFF0]  }
0x98: {  	s21 =	simm.s32 $0x80;
	s22 =	simm.s32 $0xC1F0;
	v6 =	vld [tilespmem:s20+$0xFFFFFF10];
	[tilespmem:s20+$0xFFFFFF10] =	vst v7;
	v7 =	vperm.xlane v12, v1  }
.LBB2_6:
0x99: {  	v9 =	vld [tilespmem:s22+$0x0];
	s21 =	sadd.s32 $0x2, s21;
	[tilespmem:s20+$0xFFFFFFF0] =	vst v8;
	v3 =	vperm.xlane v3, v1  }
0x9a: {  	v8 =	vld [tilespmem:s22+$0xFFFFFF20];
	p0 =	slt.u32 s21, $0xFE;
	[tilespmem:s20+$0xFFFFFFE0] =	vst v7;
	v2 =	vperm.xlane v2, v1  }
0x9b: {  	v7 =	vld [tilespmem:s22+$0xFFFFFF30];
	[tilespmem:s20+$0xFFFFFFD0] =	vst v3;
	v3 =	vperm.xlane v5, v1  }
0x9c: {  	v5 =	vld [tilespmem:s22+$0xFFFFFF40];
	[tilespmem:s20+$0xFFFFFFC0] =	vst v2;
	v2 =	vperm.xlane v4, v1  }
0x9d: {  	v4 =	vld [tilespmem:s22+$0xFFFFFF50];
	v6 =	vperm.xlane v6, v1;
	[tilespmem:s20+$0xFFFFFFB0] =	vst v3  }
0x9e: {  	v3 =	vld [tilespmem:s22+$0xFFFFFF60];
	v9 =	vperm.xlane v9, v1;
	[tilespmem:s20+$0xFFFFFFA0] =	vst v2  }
0x9f: {  	v2 =	vld [tilespmem:s22+$0xFFFFFF70];
	v8 =	vperm.xlane v8, v1;
	[tilespmem:s20+$0xFFFFFF80] =	vst v6;
	s20 =	smov.u32 s22  }
0xa0: {  	v6 =	vperm.xlane v7, v1;
	v7 =	vld [tilespmem:s22+$0xFFFFFF90];
	[tilespmem:s22+$0xFFFFFF90] =	vst v9  }
0xa1: {  	v9 =	vld [tilespmem:s22+$0xFFFFFF80];
	[tilespmem:s22+$0xFFFFFF70] =	vst v8;
	v5 =	vperm.xlane v5, v1  }
0xa2: {  	[tilespmem:s22+$0xFFFFFF60] =	vst v6;
	v4 =	vperm.xlane v4, v1;
	v6 =	vld [tilespmem:s22+$0xFFFFFFA0]  }
0xa3: {  	[tilespmem:s22+$0xFFFFFF50] =	vst v5;
	v5 =	vperm.xlane v3, v1;
	v10 =	vld [tilespmem:s22+$0xFFFFFFB0]  }
.Ltmp2:
0xa4: {  	[tilespmem:s22+$0xFFFFFF40] =	vst v4;
	v4 =	vperm.xlane v2, v1;
	v3 =	vld [tilespmem:s22+$0xFFFFFFC0];
	(pc) =	sbr.rel @p0 .LBB2_6-.Ltmp2, $4  }
0xa5: {  	[tilespmem:s22+$0xFFFFFF30] =	vst v5;
	v2 =	vld [tilespmem:s22+$0xFFFFFFD0];
	v7 =	vperm.xlane v7, v1  }
0xa6: {  	[tilespmem:s22+$0xFFFFFF20] =	vst v4;
	v9 =	vperm.xlane v9, v1;
	v5 =	vld [tilespmem:s22+$0xFFFFFFE0]  }
0xa7: {  	v4 =	vld [tilespmem:s22+$0xFFFFFFF0];
	[tilespmem:s22+$0x0] =	vst v7;
	v8 =	vperm.xlane v6, v1  }
0xa8: {  	s22 =	sadd.s32 $0x100, s22;
	v6 =	vld [tilespmem:s20+$0xFFFFFF10];
	[tilespmem:s20+$0xFFFFFF10] =	vst v9;
	v7 =	vperm.xlane v10, v1  }
0xa9: {  	[tilespmem:s20+$0xFFFFFFF0] =	vst v8;
	v3 =	vperm.xlane v3, v1  }
0xaa: {  	[tilespmem:s20+$0xFFFFFFE0] =	vst v7;
	v2 =	vperm.xlane v2, v1  }
0xab: {  	[tilespmem:s20+$0xFFFFFFD0] =	vst v3;
	v3 =	vperm.xlane v5, v1  }
0xac: {  	[tilespmem:s20+$0xFFFFFFC0] =	vst v2;
	v2 =	vperm.xlane v4, v1  }
0xad: {  	v63 =	vperm.xlane v6, v1;
	[tilespmem:s20+$0xFFFFFFB0] =	vst v3  }
0xae: {  	[tilespmem:s20+$0xFFFFFFA0] =	vst v2  }
0xaf: {  	[tilespmem:s20+$0xFFFFFF80] =	vst v63  }
0xb0: {  	[hbm4b:s8+s2] =	stream.linear.scatter [tilespmem:s14], [sflag:$0x5], $0x4000, $0x38;
	[tilespmem:$0x10200] =	vst v63  }
0xb1: {  	_ =	swait.ge [sflag:s15], $0x8000  }
0xb2: {  	[sflag:s15] =	ssyncset.done $0x0  }
0xb3: {  	[sflag:s15] =	ssyncadd.s32 $0xFFFF8000  }
0xb4: {  	_ =	swait.ge [sflag:s16], $0x4000  }
0xb5: {  	[sflag:s16] =	ssyncset.done $0x0  }
0xb6: {  	s19 =	sadd.s32 $0x1, s19;
	[sflag:s16] =	ssyncadd.s32 $0xFFFFC000  }
0xb7: {  	p0 =	sne.s32 s19, s9;
	_ =	swait.ge [sflag:s17], $0x4000  }
.Ltmp3:
0xb8: {  	[sflag:s17] =	ssyncset.done $0x0;
	(pc) =	sbr.rel @p0 .LBB2_1-.Ltmp3, $4  }
0xb9: {  	[sflag:s17] =	ssyncadd.s32 $0xFFFFC000  }
0xba: {  	_ =	swait.ge [sflag:s18], $0x200  }
0xbb: {  	[sflag:s18] =	ssyncset.done $0x0  }
0xbc: {  	[sflag:s18] =	ssyncadd.s32 $0xFFFFFE00  }
0xbd: {  	_ =	sfence.sel $0x180000  }
0xbe: {  	[bflag:$0x0] =	sbarrier.arrive $0xFFFF  }
0xbf: {  	p0 =	sne.s32 s1, $0x0;
	_ =	strace $0x90000047  }
0xc0: {  	s0 =	sadd.s32 @!p0 $0x100000, s0;
	[bflag:$0x2] =	sbarrier.arrive $0xFFFF  }
0xc1: {  	[sflag:s0] =	ssyncadd.tile.s32 @!p0 $0x1;
	_ =	shalt  }
.Lfunc_end2:
_tile_overlayer_lowered:
.L_overlay_start_2:
0xc2: {  	(tag) =	ssettag $0x2  }
0xc3: {  	s0 =	rddreg [dreg:$0x0];
	s2 =	stileid.u32  }
0xc4: {  	s1 =	rddreg [dreg:$0x1];
	p0 =	sne.s32 s2, $0x0  }
0xc5: {  	s3 =	rddreg [dreg:$0x2];
	[bflag:$0x3] =	sbarrier.arrive $0xFFFF;
	s2 =	simm.s32 @!p0 $0x1C07  }
0xc6: {  	[timem:s3], [sflag:s2] =	dma.local @!p0 [hbm:s0], s1  }
0xc7: {  	s0 =	simm.s32 @!p0 $0x7  }
0xc8: {  	_ =	swait.ge @!p0 [sflag:s0], s1  }
0xc9: {  	s1 =	ssub.s32 @!p0 $0x0, s1;
	[sflag:s0] =	ssyncset.done @!p0 $0x0  }
0xca: {  	[sflag:s0] =	ssyncadd.s32 @!p0 s1  }
0xcb: {  	[bflag:$0x3] =	sbarrier.arrive $0xFFFF  }
0xcc: {  	_ =	shalt  }

</sc_bundles>
